<compile_context>
chip_gen: v7x
topology: tpu7x:2x2x1
jax: 0.10.2.dev20260603
libtpu: 0.0.44.dev20260713+nightly
codegen_flags: <defaults>
</compile_context>

<pallas_src>
import functools

import jax
import jax.numpy as jnp
import numpy as np
from jax import lax
from jax.experimental import pallas as pl
from jax.experimental.pallas import tpu as pltpu
from jax.experimental.pallas import tpu_sc as plsc

_RADIUS2 = np.float32(0.1 * 0.1)
_NS = 16
_Q = 256
_P = 1024


def _ballquery_body(nb, xyzq_ref, xyzt_ref, tri_ref, gidx_ref, w_ref):
    b = pl.program_id(0)
    qblk = xyzq_ref[0]
    qx = qblk[:, 0:1]
    qy = qblk[:, 1:2]
    qz = qblk[:, 2:3]
    tri = tri_ref[...]

    acc = jnp.zeros((_Q, _NS), jnp.float32)
    carry = jnp.zeros((_Q, 1), jnp.float32)
    for t in range(nb // _P):
        px = xyzt_ref[0, 0:1, t * _P:(t + 1) * _P]
        py = xyzt_ref[0, 1:2, t * _P:(t + 1) * _P]
        pz = xyzt_ref[0, 2:3, t * _P:(t + 1) * _P]
        dx = qx - px
        dy = qy - py
        dz = qz - pz
        d2 = (dx * dx + dy * dy) + dz * dz
        maskb = (d2 < _RADIUS2).astype(jnp.bfloat16)
        csum = lax.dot_general(maskb, tri, (((1,), (0,)), ((), ())),
                               preferred_element_type=jnp.float32)
        cglob = csum + carry
        carry = carry + csum[:, _P - 1:_P]
        upd = [jnp.sum((cglob <= np.float32(k)).astype(jnp.float32),
                       axis=1, keepdims=True) for k in range(_NS)]
        acc = acc + jnp.concatenate(upd, axis=1)

    cnt = carry
    m = jnp.minimum(cnt, np.float32(_NS))
    kmat = lax.broadcasted_iota(jnp.int32, (_Q, _NS), 1).astype(jnp.float32)
    valid = kmat < m
    p1 = acc[:, 0:1]
    idxv = jnp.where(valid, acc, p1)
    gidx_ref[0] = idxv.astype(jnp.int32) + b * nb
    w_ref[0] = valid.astype(jnp.float32) / m


def _ballquery(xyz, new_xyz, b, nb):
    xyzq = new_xyz.reshape(b, nb, 3)
    xyzt = jnp.transpose(xyz.reshape(b, nb, 3), (0, 2, 1))
    tri = jnp.triu(jnp.ones((_P, _P), jnp.bfloat16))
    gidx, w = pl.pallas_call(
        functools.partial(_ballquery_body, nb),
        grid=(b, nb // _Q),
        in_specs=[
            pl.BlockSpec((1, _Q, 3), lambda i, j: (i, j, 0)),
            pl.BlockSpec((1, 3, nb), lambda i, j: (i, 0, 0)),
            pl.BlockSpec((_P, _P), lambda i, j: (0, 0)),
        ],
        out_specs=[
            pl.BlockSpec((1, _Q, _NS), lambda i, j: (i, j, 0)),
            pl.BlockSpec((1, _Q, _NS), lambda i, j: (i, j, 0)),
        ],
        out_shape=[
            jax.ShapeDtypeStruct((b, nb, _NS), jnp.int32),
            jax.ShapeDtypeStruct((b, nb, _NS), jnp.float32),
        ],
    )(xyzq, xyzt, tri)
    return gidx.reshape(b * nb, _NS), w.reshape(b * nb, _NS)


_GCH = 128


def _gather_rows(table, idxflat):
    tot, tc = idxflat.shape[0], table.shape[1]
    info = plsc.get_sparse_core_info()
    nw = info.num_cores * info.num_subcores
    per_w = tot // nw
    nit = per_w // _GCH
    mesh = plsc.VectorSubcoreMesh(core_axis_name="c", subcore_axis_name="s")

    @functools.partial(
        pl.kernel, mesh=mesh,
        out_type=jax.ShapeDtypeStruct((tot, tc), jnp.float32),
        scratch_types=[
            pltpu.VMEM((_GCH,), jnp.int32),
            pltpu.VMEM((_GCH, tc), jnp.float32),
            pltpu.SemaphoreType.DMA,
        ],
    )
    def gather_k(table_hbm, idx_hbm, out_hbm, idx_v, rows_v, sem):
        wid = lax.axis_index("s") * info.num_cores + lax.axis_index("c")
        base = wid * per_w

        def body(i, carry):
            off = base + i * _GCH
            pltpu.sync_copy(idx_hbm.at[pl.ds(off, _GCH)], idx_v)
            pltpu.async_copy(table_hbm.at[idx_v], rows_v, sem).wait()
            pltpu.sync_copy(rows_v, out_hbm.at[pl.ds(off, _GCH)])
            return carry

        lax.fori_loop(0, nit, body, 0)

    return gather_k(table, idxflat)


_QB = 128


def _assemble_body(c, gpt_ref, predc_ref, tgtc_ref, outp_ref, outt_ref):
    gp = gpt_ref[:, :, 0:c]
    gt = gpt_ref[:, :, c:2 * c]
    tp = jnp.swapaxes(gp, 1, 2)
    tt = jnp.swapaxes(gt, 1, 2)
    rp = tp - predc_ref[...][:, :, None]
    rt = tt - tgtc_ref[...][:, :, None]
    outp_ref[...] = rp.reshape(_QB, c * _NS)
    outt_ref[...] = rt.reshape(_QB, c * _NS)


def _assemble(gpt, pred, tgt, m, c):
    gpt3 = gpt.reshape(m, _NS, 2 * c)
    return pl.pallas_call(
        functools.partial(_assemble_body, c),
        grid=(m // _QB,),
        in_specs=[
            pl.BlockSpec((_QB, _NS, 2 * c), lambda i: (i, 0, 0)),
            pl.BlockSpec((_QB, c), lambda i: (i, 0)),
            pl.BlockSpec((_QB, c), lambda i: (i, 0)),
        ],
        out_specs=[
            pl.BlockSpec((_QB, c * _NS), lambda i: (i, 0)),
            pl.BlockSpec((_QB, c * _NS), lambda i: (i, 0)),
        ],
        out_shape=[
            jax.ShapeDtypeStruct((m, c * _NS), jnp.float32),
            jax.ShapeDtypeStruct((m, c * _NS), jnp.float32),
        ],
    )(gpt3, pred, tgt)


def kernel(xyz, xyz_batch_cnt, pred, tgt, new_xyz, new_xyz_batch_cnt):
    b = xyz_batch_cnt.shape[0]
    n, c = pred.shape
    nb = n // b
    gidx, weight = _ballquery(xyz, new_xyz, b, nb)
    table = jnp.concatenate([pred, tgt], axis=1)
    gpt = _gather_rows(table, gidx.reshape(-1))
    relp, relt = _assemble(gpt, pred, tgt, n, c)
    return (relp.reshape(n, c, _NS), relt.reshape(n, c, _NS), weight)

# --- scband reference (transcript-rebuilt; emitter-appended) ---
"""Pipeline reference for scband-query-and-group-local-relation-56822417326467 (READ-ONLY COPY).

The authoritative reference and input builder live on the scoring server;
editing this copy changes nothing except your own understanding.
"""

import jax, jax.numpy as jnp
import numpy as np

RADIUS = 0.1
NSAMPLE = 16
B = 4
NB = 8192
N = B * NB
C = 64


def setup_inputs(seed: int = 0) -> dict:
    key = jax.random.key(seed)
    k1, k2, k3 = jax.random.split(key, 3)
    xyz = jax.random.uniform(k1, (N, 3), dtype=jnp.float32)
    xyz_batch_cnt = jnp.full((B,), NB, dtype=jnp.int32)
    pred = jax.random.normal(k2, (N, C), dtype=jnp.float32)
    tgt = jax.random.normal(k3, (N, C), dtype=jnp.float32)
    # module asserts new_xyz == xyz and new_xyz_batch_cnt == xyz_batch_cnt
    return {"xyz": xyz, "xyz_batch_cnt": xyz_batch_cnt, "pred": pred, "tgt": tgt,
            "new_xyz": xyz, "new_xyz_batch_cnt": xyz_batch_cnt}


def _ball_query_segment(xyz_b, new_xyz_b, radius, nsample):
    # Faithful port of stacked pointnet2 ball_query kernel semantics:
    # take first `nsample` points (in index order) with d2 < radius^2;
    # all remaining slots are padded with the FIRST found index;
    # if no neighbor at all, idx[:,0] = -1.
    nb = xyz_b.shape[0]
    d2 = jnp.sum((new_xyz_b[:, None, :] - xyz_b[None, :, :]) ** 2, axis=-1)
    mask = d2 < radius * radius
    ar = jnp.arange(nb, dtype=jnp.int32)
    keys = jnp.where(mask, ar[None, :], nb + ar[None, :])  # valid points sort first, in index order
    _, order = jax.lax.top_k(-keys, nsample)  # nsample smallest keys, ascending
    idx = order.astype(jnp.int32)
    cnt = jnp.sum(mask, axis=-1)
    slot = jnp.arange(nsample, dtype=jnp.int32)[None, :]
    idx = jnp.where(slot < jnp.minimum(cnt, nsample)[:, None], idx, idx[:, :1])
    empty = cnt == 0
    idx = jnp.where(empty[:, None] & (slot == 0), -1, idx)
    return idx


def reference(xyz, xyz_batch_cnt, pred, tgt, new_xyz, new_xyz_batch_cnt):
    radius, nsample = RADIUS, NSAMPLE
    nseg = xyz_batch_cnt.shape[0]
    nb = xyz.shape[0] // nseg
    idx_parts = []
    for b in range(nseg):
        s, e = b * nb, (b + 1) * nb
        idx_parts.append(_ball_query_segment(xyz[s:e], new_xyz[s:e], radius, nsample))
    idx = jnp.concatenate(idx_parts, axis=0)  # (M, nsample), local per-segment indices
    empty_ball_mask = idx[:, 0] == -1
    idx = jnp.where(empty_ball_mask[:, None], 0, idx)
    # grouping_operation: add per-segment base offset, gather features
    offsets = jnp.concatenate([jnp.zeros(1, dtype=jnp.int32), jnp.cumsum(xyz_batch_cnt)])
    seg_off = jnp.repeat(offsets[:-1], xyz_batch_cnt,
                         total_repeat_length=xyz.shape[0]).astype(jnp.int32)
    gidx = idx + seg_off[:, None]
    grouped_pred = jnp.transpose(pred[gidx], (0, 2, 1))  # (M, C, nsample)
    grouped_tgt = jnp.transpose(tgt[gidx], (0, 2, 1))
    nonempty = ~empty_ball_mask
    ne = jnp.nonzero(nonempty, size=idx.shape[0], fill_value=0)[0]
    new_grouped_pred = grouped_pred[ne]
    new_grouped_tgt = grouped_tgt[ne]
    new_grouped_idx = idx[ne]
    new_pred = pred[ne]
    new_tgt = tgt[ne]
    pred_local_relation = new_grouped_pred - new_pred[:, :, None]
    tgt_local_relation = new_grouped_tgt - new_tgt[:, :, None]
    ball_idx_0 = new_grouped_idx[:, 0:1]
    eq_flag = new_grouped_idx == ball_idx_0
    not_eq_flag = ~eq_flag
    not_eq_flag = not_eq_flag.at[:, 0].set(True)
    a = not_eq_flag.astype(jnp.float32)
    bsum = jnp.sum(a, axis=-1)[:, None]
    weight = a / bsum
    return (pred_local_relation, tgt_local_relation, weight)

if __name__ == "__main__":
    import jax
    _d = setup_inputs()
    print(jax.jit(kernel)(*tuple(_d.values())))

</pallas_src>

<mosaic_0001>
#map = affine_map<(d0, d1) -> (0, 0)>
#map1 = affine_map<(d0, d1) -> (0)>
module attributes {stable_mosaic.version = 14 : i64} {
  func.func @gather_k(%arg0: i32, %arg1: i32, %arg2: memref<32768x128xf32, #tpu.memory_space<hbm>>, %arg3: memref<524288xi32, #tpu.memory_space<hbm>>, %arg4: memref<524288x128xf32, #tpu.memory_space<hbm>>, %arg5: memref<128xi32, #tpu.memory_space<vmem>>, %arg6: memref<128x128xf32, #tpu.memory_space<vmem>>, %arg7: memref<!tpu.dma_semaphore, #tpu.memory_space<semaphore_mem>>) attributes {dimension_semantics = [#tpu.dimension_semantics<core_parallel>, #tpu.dimension_semantics<subcore_parallel>], iteration_bounds = array<i64: 2, 16>, scalar_prefetch = 0 : i64, scratch_operands = 3 : i64, tpu.core_type = #tpu.core_type<sc_vector_subcore>, window_params = [{transform_indices = #map}, {transform_indices = #map1}, {transform_indices = #map}]} {
    %mul3A = arith.constant 2 : i32
    %mul3A_0 = arith.muli %arg1, %mul3A : i32
    %add3A = arith.addi %mul3A_0, %arg0 : i32
    %mul3A_1 = arith.constant 16384 : i32
    %mul3A_2 = arith.muli %add3A, %mul3A_1 : i32
    %scan3A = arith.constant 0 : i32
    %scan3A_3 = arith.constant 0 : i32
    %scan3A_4 = arith.constant 128 : i32
    %scan3A_5 = arith.addi %scan3A_3, %scan3A_4 : i32
    %scan3A_6 = arith.constant 1 : i32
    scf.for %scan3A_8 = %scan3A_3 to %scan3A_5 step %scan3A_6  : i32 {
      %mul3A_9 = arith.constant 128 : i32
      %mul3A_10 = arith.muli %scan3A_8, %mul3A_9 : i32
      %add3A_11 = arith.addi %mul3A_2, %mul3A_10 : i32
      "tpu.region"() ({
        %run_scoped3A = tpu.sem_alloc : memref<!tpu.dma_semaphore, #tpu.memory_space<semaphore_mem>>
        %dma_start3A_16 = tpu.memref_slice %arg3[%add3A_11] : memref<524288xi32, #tpu.memory_space<hbm>> -> memref<128xi32, #tpu.memory_space<hbm>>
        %dma_start3A_17 = tpu.memref_slice %arg3[%add3A_11] : memref<524288xi32, #tpu.memory_space<hbm>> -> memref<128xi32, #tpu.memory_space<hbm>>
        tpu.enqueue_dma source(%dma_start3A_17 : memref<128xi32, #tpu.memory_space<hbm>>) target(%arg5 : memref<128xi32, #tpu.memory_space<vmem>>) target_semaphore(%run_scoped3A : memref<!tpu.dma_semaphore, #tpu.memory_space<semaphore_mem>>)
        %dma_wait3A_18 = tpu.memref_slice %arg3[%add3A_11] : memref<524288xi32, #tpu.memory_space<hbm>> -> memref<128xi32, #tpu.memory_space<hbm>>
        %dma_wait3A_19 = tpu.memref_slice %arg3[%add3A_11] : memref<524288xi32, #tpu.memory_space<hbm>> -> memref<128xi32, #tpu.memory_space<hbm>>
        tpu.wait_dma2 semaphore(%run_scoped3A : memref<!tpu.dma_semaphore, #tpu.memory_space<semaphore_mem>>) src(%dma_wait3A_19 : memref<128xi32, #tpu.memory_space<hbm>>) dst(%arg5 : memref<128xi32, #tpu.memory_space<vmem>>)
        tpu.yield
      }) : () -> ()
      %dma_start3A = arith.constant 0 : i32
      %dma_start3A_12 = arith.constant 0 : i32
      %dma_start3A_13 = tpu.memref_slice %arg2[%dma_start3A, %dma_start3A_12] : memref<32768x128xf32, #tpu.memory_space<hbm>> -> memref<32768x128xf32, #tpu.memory_space<hbm>>
      tpu.enqueue_indirect_dma source(%dma_start3A_13 : memref<32768x128xf32, #tpu.memory_space<hbm>>) target(%arg6 : memref<128x128xf32, #tpu.memory_space<vmem>>) offsets(%arg5 : memref<128xi32, #tpu.memory_space<vmem>>) semaphore(%arg7 : memref<!tpu.dma_semaphore, #tpu.memory_space<semaphore_mem>>)
      %dma_wait3A = arith.constant 0 : i32
      %dma_wait3A_14 = arith.constant 0 : i32
      %dma_wait3A_15 = tpu.memref_slice %arg2[%dma_wait3A, %dma_wait3A_14] : memref<32768x128xf32, #tpu.memory_space<hbm>> -> memref<32768x128xf32, #tpu.memory_space<hbm>>
      tpu.wait_indirect_dma semaphore(%arg7 : memref<!tpu.dma_semaphore, #tpu.memory_space<semaphore_mem>>) src(%dma_wait3A_15 : memref<32768x128xf32, #tpu.memory_space<hbm>>) dst(%arg6 : memref<128x128xf32, #tpu.memory_space<vmem>>)
      "tpu.region"() ({
        %run_scoped3A = tpu.sem_alloc : memref<!tpu.dma_semaphore, #tpu.memory_space<semaphore_mem>>
        %dma_start3A_16 = arith.constant 0 : i32
        %dma_start3A_17 = tpu.memref_slice %arg4[%add3A_11, %dma_start3A_16] : memref<524288x128xf32, #tpu.memory_space<hbm>> -> memref<128x128xf32, #tpu.memory_space<hbm>>
        %dma_start3A_18 = arith.constant 0 : i32
        %dma_start3A_19 = tpu.memref_slice %arg4[%add3A_11, %dma_start3A_18] : memref<524288x128xf32, #tpu.memory_space<hbm>> -> memref<128x128xf32, #tpu.memory_space<hbm>>
        tpu.enqueue_dma source(%arg6 : memref<128x128xf32, #tpu.memory_space<vmem>>) target(%dma_start3A_19 : memref<128x128xf32, #tpu.memory_space<hbm>>) target_semaphore(%run_scoped3A : memref<!tpu.dma_semaphore, #tpu.memory_space<semaphore_mem>>)
        %dma_wait3A_20 = arith.constant 0 : i32
        %dma_wait3A_21 = tpu.memref_slice %arg4[%add3A_11, %dma_wait3A_20] : memref<524288x128xf32, #tpu.memory_space<hbm>> -> memref<128x128xf32, #tpu.memory_space<hbm>>
        %dma_wait3A_22 = arith.constant 0 : i32
        %dma_wait3A_23 = tpu.memref_slice %arg4[%add3A_11, %dma_wait3A_22] : memref<524288x128xf32, #tpu.memory_space<hbm>> -> memref<128x128xf32, #tpu.memory_space<hbm>>
        tpu.wait_dma2 semaphore(%run_scoped3A : memref<!tpu.dma_semaphore, #tpu.memory_space<semaphore_mem>>) src(%arg6 : memref<128x128xf32, #tpu.memory_space<vmem>>) dst(%dma_wait3A_23 : memref<128x128xf32, #tpu.memory_space<hbm>>)
        tpu.yield
      }) : () -> ()
    }
    %scan3A_7 = arith.constant 128 : i32
    return
  }
}

module attributes {stable_mosaic.version = 14 : i64} {
  func.func @_ballquery_body(%arg0: i32, %arg1: i32, %arg2: memref<1x256x3xf32, #tpu.memory_space<vmem>>, %arg3: memref<1x3x8192xf32, #tpu.memory_space<vmem>>, %arg4: memref<1024x1024xbf16, #tpu.memory_space<vmem>>, %arg5: memref<1x256x16xi32, #tpu.memory_space<vmem>>, %arg6: memref<1x256x16xf32, #tpu.memory_space<vmem>>) attributes {dimension_semantics = [#tpu.dimension_semantics<arbitrary>, #tpu.dimension_semantics<arbitrary>], iteration_bounds = array<i64: 4, 32>, scalar_prefetch = 0 : i64, scratch_operands = 0 : i64, tpu.core_type = #tpu.core_type<tc>, window_params = [{transform_indices = @transform_0, window_bounds = array<i64: 1, 256, 3>}, {transform_indices = @transform_1, window_bounds = array<i64: 1, 3, 8192>}, {pipeline_mode = #tpu.pipeline_mode<synchronous>, transform_indices = @transform_2, window_bounds = array<i64: 1024, 1024>}, {transform_indices = @transform_3, window_bounds = array<i64: 1, 256, 16>}, {transform_indices = @transform_4, window_bounds = array<i64: 1, 256, 16>}]} {
    %get3A = arith.constant 0 : index
    %get3A_0 = arith.constant 0 : index
    %get3A_1 = arith.constant 0 : index
    %get3A_2 = vector.load %arg2[%get3A, %get3A_0, %get3A_1] : memref<1x256x3xf32, #tpu.memory_space<vmem>>, vector<1x256x3xf32>
    %get3A_3 = vector.shape_cast %get3A_2 : vector<1x256x3xf32> to vector<256x3xf32>
    %slice3A = vector.extract_strided_slice %get3A_3 {offsets = [0, 0], sizes = [256, 1], strides = [1, 1]} : vector<256x3xf32> to vector<256x1xf32>
    %slice3A_4 = vector.extract_strided_slice %get3A_3 {offsets = [0, 1], sizes = [256, 1], strides = [1, 1]} : vector<256x3xf32> to vector<256x1xf32>
    %slice3A_5 = vector.extract_strided_slice %get3A_3 {offsets = [0, 2], sizes = [256, 1], strides = [1, 1]} : vector<256x3xf32> to vector<256x1xf32>
    %get3A_6 = arith.constant 0 : index
    %get3A_7 = arith.constant 0 : index
    %get3A_8 = vector.load %arg4[%get3A_6, %get3A_7] : memref<1024x1024xbf16, #tpu.memory_space<vmem>>, vector<1024x1024xbf16>
    %broadcast_in_dim3A = arith.constant 0.000000e+00 : f32
    %broadcast_in_dim3A_9 = vector.broadcast %broadcast_in_dim3A : f32 to vector<256x16xf32>
    %broadcast_in_dim3A_10 = arith.constant 0.000000e+00 : f32
    %broadcast_in_dim3A_11 = vector.broadcast %broadcast_in_dim3A_10 : f32 to vector<256x1xf32>
    %get3A_12 = arith.constant 0 : index
    %get3A_13 = arith.constant 0 : index
    %get3A_14 = arith.constant 0 : index
    %get3A_15 = vector.load %arg3[%get3A_12, %get3A_13, %get3A_14] : memref<1x3x8192xf32, #tpu.memory_space<vmem>>, vector<1x1x1024xf32>
    %get3A_16 = vector.shape_cast %get3A_15 : vector<1x1x1024xf32> to vector<1x1024xf32>
    %get3A_17 = arith.constant 0 : index
    %get3A_18 = arith.constant 1 : index
    %get3A_19 = arith.constant 0 : index
    %get3A_20 = vector.load %arg3[%get3A_17, %get3A_18, %get3A_19] : memref<1x3x8192xf32, #tpu.memory_space<vmem>>, vector<1x1x1024xf32>
    %get3A_21 = vector.shape_cast %get3A_20 : vector<1x1x1024xf32> to vector<1x1024xf32>
    %get3A_22 = arith.constant 0 : index
    %get3A_23 = arith.constant 2 : index
    %get3A_24 = arith.constant 0 : index
    %get3A_25 = vector.load %arg3[%get3A_22, %get3A_23, %get3A_24] : memref<1x3x8192xf32, #tpu.memory_space<vmem>>, vector<1x1x1024xf32>
    %get3A_26 = vector.shape_cast %get3A_25 : vector<1x1x1024xf32> to vector<1x1024xf32>
    %sub3A = vector.broadcast %slice3A : vector<256x1xf32> to vector<256x1024xf32>
    %sub3A_27 = vector.broadcast %get3A_16 : vector<1x1024xf32> to vector<256x1024xf32>
    %sub3A_28 = arith.subf %sub3A, %sub3A_27 : vector<256x1024xf32>
    %sub3A_29 = vector.broadcast %slice3A_4 : vector<256x1xf32> to vector<256x1024xf32>
    %sub3A_30 = vector.broadcast %get3A_21 : vector<1x1024xf32> to vector<256x1024xf32>
    %sub3A_31 = arith.subf %sub3A_29, %sub3A_30 : vector<256x1024xf32>
    %sub3A_32 = vector.broadcast %slice3A_5 : vector<256x1xf32> to vector<256x1024xf32>
    %sub3A_33 = vector.broadcast %get3A_26 : vector<1x1024xf32> to vector<256x1024xf32>
    %sub3A_34 = arith.subf %sub3A_32, %sub3A_33 : vector<256x1024xf32>
    %mul3A = arith.mulf %sub3A_28, %sub3A_28 : vector<256x1024xf32>
    %mul3A_35 = arith.mulf %sub3A_31, %sub3A_31 : vector<256x1024xf32>
    %add3A = arith.addf %mul3A, %mul3A_35 : vector<256x1024xf32>
    %mul3A_36 = arith.mulf %sub3A_34, %sub3A_34 : vector<256x1024xf32>
    %add3A_37 = arith.addf %add3A, %mul3A_36 : vector<256x1024xf32>
    %lt3A = arith.constant 0.00999999977 : f32
    %lt3A_38 = vector.broadcast %lt3A : f32 to vector<256x1024xf32>
    %lt3A_39 = arith.cmpf olt, %add3A_37, %lt3A_38 : vector<256x1024xf32>
    %convert_element_type3A = arith.extui %lt3A_39 : vector<256x1024xi1> to vector<256x1024xi32>
    %convert_element_type3A_40 = arith.sitofp %convert_element_type3A : vector<256x1024xi32> to vector<256x1024xf32>
    %convert_element_type3A_41 = arith.truncf %convert_element_type3A_40 : vector<256x1024xf32> to vector<256x1024xbf16>
    %dot_general3A = arith.constant dense<0.000000e+00> : vector<256x1024xf32>
    %dot_general3A_42 = tpu.matmul %convert_element_type3A_41, %get3A_8, %dot_general3A {dimension_numbers = #tpu.dot_dimension_numbers<[1], [0], [0], [1], [0, 0, 1, 1], [], []>, transpose_lhs_hint = false} : vector<256x1024xbf16>, vector<1024x1024xbf16>, vector<256x1024xf32> -> vector<256x1024xf32>
    %add3A_43 = vector.broadcast %broadcast_in_dim3A_11 : vector<256x1xf32> to vector<256x1024xf32>
    %add3A_44 = arith.addf %dot_general3A_42, %add3A_43 : vector<256x1024xf32>
    %slice3A_45 = vector.extract_strided_slice %dot_general3A_42 {offsets = [0, 1023], sizes = [256, 1], strides = [1, 1]} : vector<256x1024xf32> to vector<256x1xf32>
    %add3A_46 = arith.addf %broadcast_in_dim3A_11, %slice3A_45 : vector<256x1xf32>
    %le3A = arith.constant 0.000000e+00 : f32
    %le3A_47 = vector.broadcast %le3A : f32 to vector<256x1024xf32>
    %le3A_48 = arith.cmpf ole, %add3A_44, %le3A_47 : vector<256x1024xf32>
    %convert_element_type3A_49 = arith.extui %le3A_48 : vector<256x1024xi1> to vector<256x1024xi32>
    %convert_element_type3A_50 = arith.sitofp %convert_element_type3A_49 : vector<256x1024xi32> to vector<256x1024xf32>
    %reduce_sum3A = arith.constant dense<0.000000e+00> : vector<256xf32>
    %reduce_sum3A_51 = vector.multi_reduction <add>, %convert_element_type3A_50, %reduce_sum3A [1] : vector<256x1024xf32> to vector<256xf32>
    %broadcast_in_dim3A_52 = vector.shape_cast %reduce_sum3A_51 : vector<256xf32> to vector<256x1xf32>
    %le3A_53 = arith.constant 1.000000e+00 : f32
    %le3A_54 = vector.broadcast %le3A_53 : f32 to vector<256x1024xf32>
    %le3A_55 = arith.cmpf ole, %add3A_44, %le3A_54 : vector<256x1024xf32>
    %convert_element_type3A_56 = arith.extui %le3A_55 : vector<256x1024xi1> to vector<256x1024xi32>
    %convert_element_type3A_57 = arith.sitofp %convert_element_type3A_56 : vector<256x1024xi32> to vector<256x1024xf32>
    %reduce_sum3A_58 = arith.constant dense<0.000000e+00> : vector<256xf32>
    %reduce_sum3A_59 = vector.multi_reduction <add>, %convert_element_type3A_57, %reduce_sum3A_58 [1] : vector<256x1024xf32> to vector<256xf32>
    %broadcast_in_dim3A_60 = vector.shape_cast %reduce_sum3A_59 : vector<256xf32> to vector<256x1xf32>
    %le3A_61 = arith.constant 2.000000e+00 : f32
    %le3A_62 = vector.broadcast %le3A_61 : f32 to vector<256x1024xf32>
    %le3A_63 = arith.cmpf ole, %add3A_44, %le3A_62 : vector<256x1024xf32>
    %convert_element_type3A_64 = arith.extui %le3A_63 : vector<256x1024xi1> to vector<256x1024xi32>
    %convert_element_type3A_65 = arith.sitofp %convert_element_type3A_64 : vector<256x1024xi32> to vector<256x1024xf32>
    %reduce_sum3A_66 = arith.constant dense<0.000000e+00> : vector<256xf32>
    %reduce_sum3A_67 = vector.multi_reduction <add>, %convert_element_type3A_65, %reduce_sum3A_66 [1] : vector<256x1024xf32> to vector<256xf32>
    %broadcast_in_dim3A_68 = vector.shape_cast %reduce_sum3A_67 : vector<256xf32> to vector<256x1xf32>
    %le3A_69 = arith.constant 3.000000e+00 : f32
    %le3A_70 = vector.broadcast %le3A_69 : f32 to vector<256x1024xf32>
    %le3A_71 = arith.cmpf ole, %add3A_44, %le3A_70 : vector<256x1024xf32>
    %convert_element_type3A_72 = arith.extui %le3A_71 : vector<256x1024xi1> to vector<256x1024xi32>
    %convert_element_type3A_73 = arith.sitofp %convert_element_type3A_72 : vector<256x1024xi32> to vector<256x1024xf32>
    %reduce_sum3A_74 = arith.constant dense<0.000000e+00> : vector<256xf32>
    %reduce_sum3A_75 = vector.multi_reduction <add>, %convert_element_type3A_73, %reduce_sum3A_74 [1] : vector<256x1024xf32> to vector<256xf32>
    %broadcast_in_dim3A_76 = vector.shape_cast %reduce_sum3A_75 : vector<256xf32> to vector<256x1xf32>
    %le3A_77 = arith.constant 4.000000e+00 : f32
    %le3A_78 = vector.broadcast %le3A_77 : f32 to vector<256x1024xf32>
    %le3A_79 = arith.cmpf ole, %add3A_44, %le3A_78 : vector<256x1024xf32>
    %convert_element_type3A_80 = arith.extui %le3A_79 : vector<256x1024xi1> to vector<256x1024xi32>
    %convert_element_type3A_81 = arith.sitofp %convert_element_type3A_80 : vector<256x1024xi32> to vector<256x1024xf32>
    %reduce_sum3A_82 = arith.constant dense<0.000000e+00> : vector<256xf32>
    %reduce_sum3A_83 = vector.multi_reduction <add>, %convert_element_type3A_81, %reduce_sum3A_82 [1] : vector<256x1024xf32> to vector<256xf32>
    %broadcast_in_dim3A_84 = vector.shape_cast %reduce_sum3A_83 : vector<256xf32> to vector<256x1xf32>
    %le3A_85 = arith.constant 5.000000e+00 : f32
    %le3A_86 = vector.broadcast %le3A_85 : f32 to vector<256x1024xf32>
    %le3A_87 = arith.cmpf ole, %add3A_44, %le3A_86 : vector<256x1024xf32>
    %convert_element_type3A_88 = arith.extui %le3A_87 : vector<256x1024xi1> to vector<256x1024xi32>
    %convert_element_type3A_89 = arith.sitofp %convert_element_type3A_88 : vector<256x1024xi32> to vector<256x1024xf32>
    %reduce_sum3A_90 = arith.constant dense<0.000000e+00> : vector<256xf32>
    %reduce_sum3A_91 = vector.multi_reduction <add>, %convert_element_type3A_89, %reduce_sum3A_90 [1] : vector<256x1024xf32> to vector<256xf32>
    %broadcast_in_dim3A_92 = vector.shape_cast %reduce_sum3A_91 : vector<256xf32> to vector<256x1xf32>
    %le3A_93 = arith.constant 6.000000e+00 : f32
    %le3A_94 = vector.broadcast %le3A_93 : f32 to vector<256x1024xf32>
    %le3A_95 = arith.cmpf ole, %add3A_44, %le3A_94 : vector<256x1024xf32>
    %convert_element_type3A_96 = arith.extui %le3A_95 : vector<256x1024xi1> to vector<256x1024xi32>
    %convert_element_type3A_97 = arith.sitofp %convert_element_type3A_96 : vector<256x1024xi32> to vector<256x1024xf32>
    %reduce_sum3A_98 = arith.constant dense<0.000000e+00> : vector<256xf32>
    %reduce_sum3A_99 = vector.multi_reduction <add>, %convert_element_type3A_97, %reduce_sum3A_98 [1] : vector<256x1024xf32> to vector<256xf32>
    %broadcast_in_dim3A_100 = vector.shape_cast %reduce_sum3A_99 : vector<256xf32> to vector<256x1xf32>
    %le3A_101 = arith.constant 7.000000e+00 : f32
    %le3A_102 = vector.broadcast %le3A_101 : f32 to vector<256x1024xf32>
    %le3A_103 = arith.cmpf ole, %add3A_44, %le3A_102 : vector<256x1024xf32>
    %convert_element_type3A_104 = arith.extui %le3A_103 : vector<256x1024xi1> to vector<256x1024xi32>
    %convert_element_type3A_105 = arith.sitofp %convert_element_type3A_104 : vector<256x1024xi32> to vector<256x1024xf32>
    %reduce_sum3A_106 = arith.constant dense<0.000000e+00> : vector<256xf32>
    %reduce_sum3A_107 = vector.multi_reduction <add>, %convert_element_type3A_105, %reduce_sum3A_106 [1] : vector<256x1024xf32> to vector<256xf32>
    %broadcast_in_dim3A_108 = vector.shape_cast %reduce_sum3A_107 : vector<256xf32> to vector<256x1xf32>
    %le3A_109 = arith.constant 8.000000e+00 : f32
    %le3A_110 = vector.broadcast %le3A_109 : f32 to vector<256x1024xf32>
    %le3A_111 = arith.cmpf ole, %add3A_44, %le3A_110 : vector<256x1024xf32>
    %convert_element_type3A_112 = arith.extui %le3A_111 : vector<256x1024xi1> to vector<256x1024xi32>
    %convert_element_type3A_113 = arith.sitofp %convert_element_type3A_112 : vector<256x1024xi32> to vector<256x1024xf32>
    %reduce_sum3A_114 = arith.constant dense<0.000000e+00> : vector<256xf32>
    %reduce_sum3A_115 = vector.multi_reduction <add>, %convert_element_type3A_113, %reduce_sum3A_114 [1] : vector<256x1024xf32> to vector<256xf32>
    %broadcast_in_dim3A_116 = vector.shape_cast %reduce_sum3A_115 : vector<256xf32> to vector<256x1xf32>
    %le3A_117 = arith.constant 9.000000e+00 : f32
    %le3A_118 = vector.broadcast %le3A_117 : f32 to vector<256x1024xf32>
    %le3A_119 = arith.cmpf ole, %add3A_44, %le3A_118 : vector<256x1024xf32>
    %convert_element_type3A_120 = arith.extui %le3A_119 : vector<256x1024xi1> to vector<256x1024xi32>
    %convert_element_type3A_121 = arith.sitofp %convert_element_type3A_120 : vector<256x1024xi32> to vector<256x1024xf32>
    %reduce_sum3A_122 = arith.constant dense<0.000000e+00> : vector<256xf32>
    %reduce_sum3A_123 = vector.multi_reduction <add>, %convert_element_type3A_121, %reduce_sum3A_122 [1] : vector<256x1024xf32> to vector<256xf32>
    %broadcast_in_dim3A_124 = vector.shape_cast %reduce_sum3A_123 : vector<256xf32> to vector<256x1xf32>
    %le3A_125 = arith.constant 1.000000e+01 : f32
    %le3A_126 = vector.broadcast %le3A_125 : f32 to vector<256x1024xf32>
    %le3A_127 = arith.cmpf ole, %add3A_44, %le3A_126 : vector<256x1024xf32>
    %convert_element_type3A_128 = arith.extui %le3A_127 : vector<256x1024xi1> to vector<256x1024xi32>
    %convert_element_type3A_129 = arith.sitofp %convert_element_type3A_128 : vector<256x1024xi32> to vector<256x1024xf32>
    %reduce_sum3A_130 = arith.constant dense<0.000000e+00> : vector<256xf32>
    %reduce_sum3A_131 = vector.multi_reduction <add>, %convert_element_type3A_129, %reduce_sum3A_130 [1] : vector<256x1024xf32> to vector<256xf32>
    %broadcast_in_dim3A_132 = vector.shape_cast %reduce_sum3A_131 : vector<256xf32> to vector<256x1xf32>
    %le3A_133 = arith.constant 1.100000e+01 : f32
    %le3A_134 = vector.broadcast %le3A_133 : f32 to vector<256x1024xf32>
    %le3A_135 = arith.cmpf ole, %add3A_44, %le3A_134 : vector<256x1024xf32>
    %convert_element_type3A_136 = arith.extui %le3A_135 : vector<256x1024xi1> to vector<256x1024xi32>
    %convert_element_type3A_137 = arith.sitofp %convert_element_type3A_136 : vector<256x1024xi32> to vector<256x1024xf32>
    %reduce_sum3A_138 = arith.constant dense<0.000000e+00> : vector<256xf32>
    %reduce_sum3A_139 = vector.multi_reduction <add>, %convert_element_type3A_137, %reduce_sum3A_138 [1] : vector<256x1024xf32> to vector<256xf32>
    %broadcast_in_dim3A_140 = vector.shape_cast %reduce_sum3A_139 : vector<256xf32> to vector<256x1xf32>
    %le3A_141 = arith.constant 1.200000e+01 : f32
    %le3A_142 = vector.broadcast %le3A_141 : f32 to vector<256x1024xf32>
    %le3A_143 = arith.cmpf ole, %add3A_44, %le3A_142 : vector<256x1024xf32>
    %convert_element_type3A_144 = arith.extui %le3A_143 : vector<256x1024xi1> to vector<256x1024xi32>
    %convert_element_type3A_145 = arith.sitofp %convert_element_type3A_144 : vector<256x1024xi32> to vector<256x1024xf32>
    %reduce_sum3A_146 = arith.constant dense<0.000000e+00> : vector<256xf32>
    %reduce_sum3A_147 = vector.multi_reduction <add>, %convert_element_type3A_145, %reduce_sum3A_146 [1] : vector<256x1024xf32> to vector<256xf32>
    %broadcast_in_dim3A_148 = vector.shape_cast %reduce_sum3A_147 : vector<256xf32> to vector<256x1xf32>
    %le3A_149 = arith.constant 1.300000e+01 : f32
    %le3A_150 = vector.broadcast %le3A_149 : f32 to vector<256x1024xf32>
    %le3A_151 = arith.cmpf ole, %add3A_44, %le3A_150 : vector<256x1024xf32>
    %convert_element_type3A_152 = arith.extui %le3A_151 : vector<256x1024xi1> to vector<256x1024xi32>
    %convert_element_type3A_153 = arith.sitofp %convert_element_type3A_152 : vector<256x1024xi32> to vector<256x1024xf32>
    %reduce_sum3A_154 = arith.constant dense<0.000000e+00> : vector<256xf32>
    %reduce_sum3A_155 = vector.multi_reduction <add>, %convert_element_type3A_153, %reduce_sum3A_154 [1] : vector<256x1024xf32> to vector<256xf32>
    %broadcast_in_dim3A_156 = vector.shape_cast %reduce_sum3A_155 : vector<256xf32> to vector<256x1xf32>
    %le3A_157 = arith.constant 1.400000e+01 : f32
    %le3A_158 = vector.broadcast %le3A_157 : f32 to vector<256x1024xf32>
    %le3A_159 = arith.cmpf ole, %add3A_44, %le3A_158 : vector<256x1024xf32>
    %convert_element_type3A_160 = arith.extui %le3A_159 : vector<256x1024xi1> to vector<256x1024xi32>
    %convert_element_type3A_161 = arith.sitofp %convert_element_type3A_160 : vector<256x1024xi32> to vector<256x1024xf32>
    %reduce_sum3A_162 = arith.constant dense<0.000000e+00> : vector<256xf32>
    %reduce_sum3A_163 = vector.multi_reduction <add>, %convert_element_type3A_161, %reduce_sum3A_162 [1] : vector<256x1024xf32> to vector<256xf32>
    %broadcast_in_dim3A_164 = vector.shape_cast %reduce_sum3A_163 : vector<256xf32> to vector<256x1xf32>
    %le3A_165 = arith.constant 1.500000e+01 : f32
    %le3A_166 = vector.broadcast %le3A_165 : f32 to vector<256x1024xf32>
    %le3A_167 = arith.cmpf ole, %add3A_44, %le3A_166 : vector<256x1024xf32>
    %convert_element_type3A_168 = arith.extui %le3A_167 : vector<256x1024xi1> to vector<256x1024xi32>
    %convert_element_type3A_169 = arith.sitofp %convert_element_type3A_168 : vector<256x1024xi32> to vector<256x1024xf32>
    %reduce_sum3A_170 = arith.constant dense<0.000000e+00> : vector<256xf32>
    %reduce_sum3A_171 = vector.multi_reduction <add>, %convert_element_type3A_169, %reduce_sum3A_170 [1] : vector<256x1024xf32> to vector<256xf32>
    %broadcast_in_dim3A_172 = vector.shape_cast %reduce_sum3A_171 : vector<256xf32> to vector<256x1xf32>
    %concatenate3A = tpu.concatenate %broadcast_in_dim3A_52, %broadcast_in_dim3A_60, %broadcast_in_dim3A_68, %broadcast_in_dim3A_76, %broadcast_in_dim3A_84, %broadcast_in_dim3A_92, %broadcast_in_dim3A_100, %broadcast_in_dim3A_108, %broadcast_in_dim3A_116, %broadcast_in_dim3A_124, %broadcast_in_dim3A_132, %broadcast_in_dim3A_140, %broadcast_in_dim3A_148, %broadcast_in_dim3A_156, %broadcast_in_dim3A_164, %broadcast_in_dim3A_172 in 1 : vector<256x1xf32>, vector<256x1xf32>, vector<256x1xf32>, vector<256x1xf32>, vector<256x1xf32>, vector<256x1xf32>, vector<256x1xf32>, vector<256x1xf32>, vector<256x1xf32>, vector<256x1xf32>, vector<256x1xf32>, vector<256x1xf32>, vector<256x1xf32>, vector<256x1xf32>, vector<256x1xf32>, vector<256x1xf32> -> vector<256x16xf32>
    %add3A_173 = arith.addf %broadcast_in_dim3A_9, %concatenate3A : vector<256x16xf32>
    %get3A_174 = arith.constant 0 : index
    %get3A_175 = arith.constant 0 : index
    %get3A_176 = arith.constant 1024 : index
    %get3A_177 = vector.load %arg3[%get3A_174, %get3A_175, %get3A_176] : memref<1x3x8192xf32, #tpu.memory_space<vmem>>, vector<1x1x1024xf32>
    %get3A_178 = vector.shape_cast %get3A_177 : vector<1x1x1024xf32> to vector<1x1024xf32>
    %get3A_179 = arith.constant 0 : index
    %get3A_180 = arith.constant 1 : index
    %get3A_181 = arith.constant 1024 : index
    %get3A_182 = vector.load %arg3[%get3A_179, %get3A_180, %get3A_181] : memref<1x3x8192xf32, #tpu.memory_space<vmem>>, vector<1x1x1024xf32>
    %get3A_183 = vector.shape_cast %get3A_182 : vector<1x1x1024xf32> to vector<1x1024xf32>
    %get3A_184 = arith.constant 0 : index
    %get3A_185 = arith.constant 2 : index
    %get3A_186 = arith.constant 1024 : index
    %get3A_187 = vector.load %arg3[%get3A_184, %get3A_185, %get3A_186] : memref<1x3x8192xf32, #tpu.memory_space<vmem>>, vector<1x1x1024xf32>
    %get3A_188 = vector.shape_cast %get3A_187 : vector<1x1x1024xf32> to vector<1x1024xf32>
    %sub3A_189 = vector.broadcast %slice3A : vector<256x1xf32> to vector<256x1024xf32>
    %sub3A_190 = vector.broadcast %get3A_178 : vector<1x1024xf32> to vector<256x1024xf32>
    %sub3A_191 = arith.subf %sub3A_189, %sub3A_190 : vector<256x1024xf32>
    %sub3A_192 = vector.broadcast %slice3A_4 : vector<256x1xf32> to vector<256x1024xf32>
    %sub3A_193 = vector.broadcast %get3A_183 : vector<1x1024xf32> to vector<256x1024xf32>
    %sub3A_194 = arith.subf %sub3A_192, %sub3A_193 : vector<256x1024xf32>
    %sub3A_195 = vector.broadcast %slice3A_5 : vector<256x1xf32> to vector<256x1024xf32>
    %sub3A_196 = vector.broadcast %get3A_188 : vector<1x1024xf32> to vector<256x1024xf32>
    %sub3A_197 = arith.subf %sub3A_195, %sub3A_196 : vector<256x1024xf32>
    %mul3A_198 = arith.mulf %sub3A_191, %sub3A_191 : vector<256x1024xf32>
    %mul3A_199 = arith.mulf %sub3A_194, %sub3A_194 : vector<256x1024xf32>
    %add3A_200 = arith.addf %mul3A_198, %mul3A_199 : vector<256x1024xf32>
    %mul3A_201 = arith.mulf %sub3A_197, %sub3A_197 : vector<256x1024xf32>
    %add3A_202 = arith.addf %add3A_200, %mul3A_201 : vector<256x1024xf32>
    %lt3A_203 = arith.constant 0.00999999977 : f32
    %lt3A_204 = vector.broadcast %lt3A_203 : f32 to vector<256x1024xf32>
    %lt3A_205 = arith.cmpf olt, %add3A_202, %lt3A_204 : vector<256x1024xf32>
    %convert_element_type3A_206 = arith.extui %lt3A_205 : vector<256x1024xi1> to vector<256x1024xi32>
    %convert_element_type3A_207 = arith.sitofp %convert_element_type3A_206 : vector<256x1024xi32> to vector<256x1024xf32>
    %convert_element_type3A_208 = arith.truncf %convert_element_type3A_207 : vector<256x1024xf32> to vector<256x1024xbf16>
    %dot_general3A_209 = arith.constant dense<0.000000e+00> : vector<256x1024xf32>
    %dot_general3A_210 = tpu.matmul %convert_element_type3A_208, %get3A_8, %dot_general3A_209 {dimension_numbers = #tpu.dot_dimension_numbers<[1], [0], [0], [1], [0, 0, 1, 1], [], []>, transpose_lhs_hint = false} : vector<256x1024xbf16>, vector<1024x1024xbf16>, vector<256x1024xf32> -> vector<256x1024xf32>
    %add3A_211 = vector.broadcast %add3A_46 : vector<256x1xf32> to vector<256x1024xf32>
    %add3A_212 = arith.addf %dot_general3A_210, %add3A_211 : vector<256x1024xf32>
    %slice3A_213 = vector.extract_strided_slice %dot_general3A_210 {offsets = [0, 1023], sizes = [256, 1], strides = [1, 1]} : vector<256x1024xf32> to vector<256x1xf32>
    %add3A_214 = arith.addf %add3A_46, %slice3A_213 : vector<256x1xf32>
    %le3A_215 = arith.constant 0.000000e+00 : f32
    %le3A_216 = vector.broadcast %le3A_215 : f32 to vector<256x1024xf32>
    %le3A_217 = arith.cmpf ole, %add3A_212, %le3A_216 : vector<256x1024xf32>
    %convert_element_type3A_218 = arith.extui %le3A_217 : vector<256x1024xi1> to vector<256x1024xi32>
    %convert_element_type3A_219 = arith.sitofp %convert_element_type3A_218 : vector<256x1024xi32> to vector<256x1024xf32>
    %reduce_sum3A_220 = arith.constant dense<0.000000e+00> : vector<256xf32>
    %reduce_sum3A_221 = vector.multi_reduction <add>, %convert_element_type3A_219, %reduce_sum3A_220 [1] : vector<256x1024xf32> to vector<256xf32>
    %broadcast_in_dim3A_222 = vector.shape_cast %reduce_sum3A_221 : vector<256xf32> to vector<256x1xf32>
    %le3A_223 = arith.constant 1.000000e+00 : f32
    %le3A_224 = vector.broadcast %le3A_223 : f32 to vector<256x1024xf32>
    %le3A_225 = arith.cmpf ole, %add3A_212, %le3A_224 : vector<256x1024xf32>
    %convert_element_type3A_226 = arith.extui %le3A_225 : vector<256x1024xi1> to vector<256x1024xi32>
    %convert_element_type3A_227 = arith.sitofp %convert_element_type3A_226 : vector<256x1024xi32> to vector<256x1024xf32>
    %reduce_sum3A_228 = arith.constant dense<0.000000e+00> : vector<256xf32>
    %reduce_sum3A_229 = vector.multi_reduction <add>, %convert_element_type3A_227, %reduce_sum3A_228 [1] : vector<256x1024xf32> to vector<256xf32>
    %broadcast_in_dim3A_230 = vector.shape_cast %reduce_sum3A_229 : vector<256xf32> to vector<256x1xf32>
    %le3A_231 = arith.constant 2.000000e+00 : f32
    %le3A_232 = vector.broadcast %le3A_231 : f32 to vector<256x1024xf32>
    %le3A_233 = arith.cmpf ole, %add3A_212, %le3A_232 : vector<256x1024xf32>
    %convert_element_type3A_234 = arith.extui %le3A_233 : vector<256x1024xi1> to vector<256x1024xi32>
    %convert_element_type3A_235 = arith.sitofp %convert_element_type3A_234 : vector<256x1024xi32> to vector<256x1024xf32>
    %reduce_sum3A_236 = arith.constant dense<0.000000e+00> : vector<256xf32>
    %reduce_sum3A_237 = vector.multi_reduction <add>, %convert_element_type3A_235, %reduce_sum3A_236 [1] : vector<256x1024xf32> to vector<256xf32>
    %broadcast_in_dim3A_238 = vector.shape_cast %reduce_sum3A_237 : vector<256xf32> to vector<256x1xf32>
    %le3A_239 = arith.constant 3.000000e+00 : f32
    %le3A_240 = vector.broadcast %le3A_239 : f32 to vector<256x1024xf32>
    %le3A_241 = arith.cmpf ole, %add3A_212, %le3A_240 : vector<256x1024xf32>
    %convert_element_type3A_242 = arith.extui %le3A_241 : vector<256x1024xi1> to vector<256x1024xi32>
    %convert_element_type3A_243 = arith.sitofp %convert_element_type3A_242 : vector<256x1024xi32> to vector<256x1024xf32>
    %reduce_sum3A_244 = arith.constant dense<0.000000e+00> : vector<256xf32>
    %reduce_sum3A_245 = vector.multi_reduction <add>, %convert_element_type3A_243, %reduce_sum3A_244 [1] : vector<256x1024xf32> to vector<256xf32>
    %broadcast_in_dim3A_246 = vector.shape_cast %reduce_sum3A_245 : vector<256xf32> to vector<256x1xf32>
    %le3A_247 = arith.constant 4.000000e+00 : f32
    %le3A_248 = vector.broadcast %le3A_247 : f32 to vector<256x1024xf32>
    %le3A_249 = arith.cmpf ole, %add3A_212, %le3A_248 : vector<256x1024xf32>
    %convert_element_type3A_250 = arith.extui %le3A_249 : vector<256x1024xi1> to vector<256x1024xi32>
    %convert_element_type3A_251 = arith.sitofp %convert_element_type3A_250 : vector<256x1024xi32> to vector<256x1024xf32>
    %reduce_sum3A_252 = arith.constant dense<0.000000e+00> : vector<256xf32>
    %reduce_sum3A_253 = vector.multi_reduction <add>, %convert_element_type3A_251, %reduce_sum3A_252 [1] : vector<256x1024xf32> to vector<256xf32>
    %broadcast_in_dim3A_254 = vector.shape_cast %reduce_sum3A_253 : vector<256xf32> to vector<256x1xf32>
    %le3A_255 = arith.constant 5.000000e+00 : f32
    %le3A_256 = vector.broadcast %le3A_255 : f32 to vector<256x1024xf32>
    %le3A_257 = arith.cmpf ole, %add3A_212, %le3A_256 : vector<256x1024xf32>
    %convert_element_type3A_258 = arith.extui %le3A_257 : vector<256x1024xi1> to vector<256x1024xi32>
    %convert_element_type3A_259 = arith.sitofp %convert_element_type3A_258 : vector<256x1024xi32> to vector<256x1024xf32>
    %reduce_sum3A_260 = arith.constant dense<0.000000e+00> : vector<256xf32>
    %reduce_sum3A_261 = vector.multi_reduction <add>, %convert_element_type3A_259, %reduce_sum3A_260 [1] : vector<256x1024xf32> to vector<256xf32>
    %broadcast_in_dim3A_262 = vector.shape_cast %reduce_sum3A_261 : vector<256xf32> to vector<256x1xf32>
    %le3A_263 = arith.constant 6.000000e+00 : f32
    %le3A_264 = vector.broadcast %le3A_263 : f32 to vector<256x1024xf32>
    %le3A_265 = arith.cmpf ole, %add3A_212, %le3A_264 : vector<256x1024xf32>
    %convert_element_type3A_266 = arith.extui %le3A_265 : vector<256x1024xi1> to vector<256x1024xi32>
    %convert_element_type3A_267 = arith.sitofp %convert_element_type3A_266 : vector<256x1024xi32> to vector<256x1024xf32>
    %reduce_sum3A_268 = arith.constant dense<0.000000e+00> : vector<256xf32>
    %reduce_sum3A_269 = vector.multi_reduction <add>, %convert_element_type3A_267, %reduce_sum3A_268 [1] : vector<256x1024xf32> to vector<256xf32>
    %broadcast_in_dim3A_270 = vector.shape_cast %reduce_sum3A_269 : vector<256xf32> to vector<256x1xf32>
    %le3A_271 = arith.constant 7.000000e+00 : f32
    %le3A_272 = vector.broadcast %le3A_271 : f32 to vector<256x1024xf32>
    %le3A_273 = arith.cmpf ole, %add3A_212, %le3A_272 : vector<256x1024xf32>
    %convert_element_type3A_274 = arith.extui %le3A_273 : vector<256x1024xi1> to vector<256x1024xi32>
    %convert_element_type3A_275 = arith.sitofp %convert_element_type3A_274 : vector<256x1024xi32> to vector<256x1024xf32>
    %reduce_sum3A_276 = arith.constant dense<0.000000e+00> : vector<256xf32>
    %reduce_sum3A_277 = vector.multi_reduction <add>, %convert_element_type3A_275, %reduce_sum3A_276 [1] : vector<256x1024xf32> to vector<256xf32>
    %broadcast_in_dim3A_278 = vector.shape_cast %reduce_sum3A_277 : vector<256xf32> to vector<256x1xf32>
    %le3A_279 = arith.constant 8.000000e+00 : f32
    %le3A_280 = vector.broadcast %le3A_279 : f32 to vector<256x1024xf32>
    %le3A_281 = arith.cmpf ole, %add3A_212, %le3A_280 : vector<256x1024xf32>
    %convert_element_type3A_282 = arith.extui %le3A_281 : vector<256x1024xi1> to vector<256x1024xi32>
    %convert_element_type3A_283 = arith.sitofp %convert_element_type3A_282 : vector<256x1024xi32> to vector<256x1024xf32>
    %reduce_sum3A_284 = arith.constant dense<0.000000e+00> : vector<256xf32>
    %reduce_sum3A_285 = vector.multi_reduction <add>, %convert_element_type3A_283, %reduce_sum3A_284 [1] : vector<256x1024xf32> to vector<256xf32>
    %broadcast_in_dim3A_286 = vector.shape_cast %reduce_sum3A_285 : vector<256xf32> to vector<256x1xf32>
    %le3A_287 = arith.constant 9.000000e+00 : f32
    %le3A_288 = vector.broadcast %le3A_287 : f32 to vector<256x1024xf32>
    %le3A_289 = arith.cmpf ole, %add3A_212, %le3A_288 : vector<256x1024xf32>
    %convert_element_type3A_290 = arith.extui %le3A_289 : vector<256x1024xi1> to vector<256x1024xi32>
    %convert_element_type3A_291 = arith.sitofp %convert_element_type3A_290 : vector<256x1024xi32> to vector<256x1024xf32>
    %reduce_sum3A_292 = arith.constant dense<0.000000e+00> : vector<256xf32>
    %reduce_sum3A_293 = vector.multi_reduction <add>, %convert_element_type3A_291, %reduce_sum3A_292 [1] : vector<256x1024xf32> to vector<256xf32>
    %broadcast_in_dim3A_294 = vector.shape_cast %reduce_sum3A_293 : vector<256xf32> to vector<256x1xf32>
    %le3A_295 = arith.constant 1.000000e+01 : f32
    %le3A_296 = vector.broadcast %le3A_295 : f32 to vector<256x1024xf32>
    %le3A_297 = arith.cmpf ole, %add3A_212, %le3A_296 : vector<256x1024xf32>
    %convert_element_type3A_298 = arith.extui %le3A_297 : vector<256x1024xi1> to vector<256x1024xi32>
    %convert_element_type3A_299 = arith.sitofp %convert_element_type3A_298 : vector<256x1024xi32> to vector<256x1024xf32>
    %reduce_sum3A_300 = arith.constant dense<0.000000e+00> : vector<256xf32>
    %reduce_sum3A_301 = vector.multi_reduction <add>, %convert_element_type3A_299, %reduce_sum3A_300 [1] : vector<256x1024xf32> to vector<256xf32>
    %broadcast_in_dim3A_302 = vector.shape_cast %reduce_sum3A_301 : vector<256xf32> to vector<256x1xf32>
    %le3A_303 = arith.constant 1.100000e+01 : f32
    %le3A_304 = vector.broadcast %le3A_303 : f32 to vector<256x1024xf32>
    %le3A_305 = arith.cmpf ole, %add3A_212, %le3A_304 : vector<256x1024xf32>
    %convert_element_type3A_306 = arith.extui %le3A_305 : vector<256x1024xi1> to vector<256x1024xi32>
    %convert_element_type3A_307 = arith.sitofp %convert_element_type3A_306 : vector<256x1024xi32> to vector<256x1024xf32>
    %reduce_sum3A_308 = arith.constant dense<0.000000e+00> : vector<256xf32>
    %reduce_sum3A_309 = vector.multi_reduction <add>, %convert_element_type3A_307, %reduce_sum3A_308 [1] : vector<256x1024xf32> to vector<256xf32>
    %broadcast_in_dim3A_310 = vector.shape_cast %reduce_sum3A_309 : vector<256xf32> to vector<256x1xf32>
    %le3A_311 = arith.constant 1.200000e+01 : f32
    %le3A_312 = vector.broadcast %le3A_311 : f32 to vector<256x1024xf32>
    %le3A_313 = arith.cmpf ole, %add3A_212, %le3A_312 : vector<256x1024xf32>
    %convert_element_type3A_314 = arith.extui %le3A_313 : vector<256x1024xi1> to vector<256x1024xi32>
    %convert_element_type3A_315 = arith.sitofp %convert_element_type3A_314 : vector<256x1024xi32> to vector<256x1024xf32>
    %reduce_sum3A_316 = arith.constant dense<0.000000e+00> : vector<256xf32>
    %reduce_sum3A_317 = vector.multi_reduction <add>, %convert_element_type3A_315, %reduce_sum3A_316 [1] : vector<256x1024xf32> to vector<256xf32>
    %broadcast_in_dim3A_318 = vector.shape_cast %reduce_sum3A_317 : vector<256xf32> to vector<256x1xf32>
    %le3A_319 = arith.constant 1.300000e+01 : f32
    %le3A_320 = vector.broadcast %le3A_319 : f32 to vector<256x1024xf32>
    %le3A_321 = arith.cmpf ole, %add3A_212, %le3A_320 : vector<256x1024xf32>
    %convert_element_type3A_322 = arith.extui %le3A_321 : vector<256x1024xi1> to vector<256x1024xi32>
    %convert_element_type3A_323 = arith.sitofp %convert_element_type3A_322 : vector<256x1024xi32> to vector<256x1024xf32>
    %reduce_sum3A_324 = arith.constant dense<0.000000e+00> : vector<256xf32>
    %reduce_sum3A_325 = vector.multi_reduction <add>, %convert_element_type3A_323, %reduce_sum3A_324 [1] : vector<256x1024xf32> to vector<256xf32>
    %broadcast_in_dim3A_326 = vector.shape_cast %reduce_sum3A_325 : vector<256xf32> to vector<256x1xf32>
    %le3A_327 = arith.constant 1.400000e+01 : f32
    %le3A_328 = vector.broadcast %le3A_327 : f32 to vector<256x1024xf32>
    %le3A_329 = arith.cmpf ole, %add3A_212, %le3A_328 : vector<256x1024xf32>
    %convert_element_type3A_330 = arith.extui %le3A_329 : vector<256x1024xi1> to vector<256x1024xi32>
    %convert_element_type3A_331 = arith.sitofp %convert_element_type3A_330 : vector<256x1024xi32> to vector<256x1024xf32>
    %reduce_sum3A_332 = arith.constant dense<0.000000e+00> : vector<256xf32>
    %reduce_sum3A_333 = vector.multi_reduction <add>, %convert_element_type3A_331, %reduce_sum3A_332 [1] : vector<256x1024xf32> to vector<256xf32>
    %broadcast_in_dim3A_334 = vector.shape_cast %reduce_sum3A_333 : vector<256xf32> to vector<256x1xf32>
    %le3A_335 = arith.constant 1.500000e+01 : f32
    %le3A_336 = vector.broadcast %le3A_335 : f32 to vector<256x1024xf32>
    %le3A_337 = arith.cmpf ole, %add3A_212, %le3A_336 : vector<256x1024xf32>
    %convert_element_type3A_338 = arith.extui %le3A_337 : vector<256x1024xi1> to vector<256x1024xi32>
    %convert_element_type3A_339 = arith.sitofp %convert_element_type3A_338 : vector<256x1024xi32> to vector<256x1024xf32>
    %reduce_sum3A_340 = arith.constant dense<0.000000e+00> : vector<256xf32>
    %reduce_sum3A_341 = vector.multi_reduction <add>, %convert_element_type3A_339, %reduce_sum3A_340 [1] : vector<256x1024xf32> to vector<256xf32>
    %broadcast_in_dim3A_342 = vector.shape_cast %reduce_sum3A_341 : vector<256xf32> to vector<256x1xf32>
    %concatenate3A_343 = tpu.concatenate %broadcast_in_dim3A_222, %broadcast_in_dim3A_230, %broadcast_in_dim3A_238, %broadcast_in_dim3A_246, %broadcast_in_dim3A_254, %broadcast_in_dim3A_262, %broadcast_in_dim3A_270, %broadcast_in_dim3A_278, %broadcast_in_dim3A_286, %broadcast_in_dim3A_294, %broadcast_in_dim3A_302, %broadcast_in_dim3A_310, %broadcast_in_dim3A_318, %broadcast_in_dim3A_326, %broadcast_in_dim3A_334, %broadcast_in_dim3A_342 in 1 : vector<256x1xf32>, vector<256x1xf32>, vector<256x1xf32>, vector<256x1xf32>, vector<256x1xf32>, vector<256x1xf32>, vector<256x1xf32>, vector<256x1xf32>, vector<256x1xf32>, vector<256x1xf32>, vector<256x1xf32>, vector<256x1xf32>, vector<256x1xf32>, vector<256x1xf32>, vector<256x1xf32>, vector<256x1xf32> -> vector<256x16xf32>
    %add3A_344 = arith.addf %add3A_173, %concatenate3A_343 : vector<256x16xf32>
    %get3A_345 = arith.constant 0 : index
    %get3A_346 = arith.constant 0 : index
    %get3A_347 = arith.constant 2048 : index
    %get3A_348 = vector.load %arg3[%get3A_345, %get3A_346, %get3A_347] : memref<1x3x8192xf32, #tpu.memory_space<vmem>>, vector<1x1x1024xf32>
    %get3A_349 = vector.shape_cast %get3A_348 : vector<1x1x1024xf32> to vector<1x1024xf32>
    %get3A_350 = arith.constant 0 : index
    %get3A_351 = arith.constant 1 : index
    %get3A_352 = arith.constant 2048 : index
    %get3A_353 = vector.load %arg3[%get3A_350, %get3A_351, %get3A_352] : memref<1x3x8192xf32, #tpu.memory_space<vmem>>, vector<1x1x1024xf32>
    %get3A_354 = vector.shape_cast %get3A_353 : vector<1x1x1024xf32> to vector<1x1024xf32>
    %get3A_355 = arith.constant 0 : index
    %get3A_356 = arith.constant 2 : index
    %get3A_357 = arith.constant 2048 : index
    %get3A_358 = vector.load %arg3[%get3A_355, %get3A_356, %get3A_357] : memref<1x3x8192xf32, #tpu.memory_space<vmem>>, vector<1x1x1024xf32>
    %get3A_359 = vector.shape_cast %get3A_358 : vector<1x1x1024xf32> to vector<1x1024xf32>
    %sub3A_360 = vector.broadcast %slice3A : vector<256x1xf32> to vector<256x1024xf32>
    %sub3A_361 = vector.broadcast %get3A_349 : vector<1x1024xf32> to vector<256x1024xf32>
    %sub3A_362 = arith.subf %sub3A_360, %sub3A_361 : vector<256x1024xf32>
    %sub3A_363 = vector.broadcast %slice3A_4 : vector<256x1xf32> to vector<256x1024xf32>
    %sub3A_364 = vector.broadcast %get3A_354 : vector<1x1024xf32> to vector<256x1024xf32>
    %sub3A_365 = arith.subf %sub3A_363, %sub3A_364 : vector<256x1024xf32>
    %sub3A_366 = vector.broadcast %slice3A_5 : vector<256x1xf32> to vector<256x1024xf32>
    %sub3A_367 = vector.broadcast %get3A_359 : vector<1x1024xf32> to vector<256x1024xf32>
    %sub3A_368 = arith.subf %sub3A_366, %sub3A_367 : vector<256x1024xf32>
    %mul3A_369 = arith.mulf %sub3A_362, %sub3A_362 : vector<256x1024xf32>
    %mul3A_370 = arith.mulf %sub3A_365, %sub3A_365 : vector<256x1024xf32>
    %add3A_371 = arith.addf %mul3A_369, %mul3A_370 : vector<256x1024xf32>
    %mul3A_372 = arith.mulf %sub3A_368, %sub3A_368 : vector<256x1024xf32>
    %add3A_373 = arith.addf %add3A_371, %mul3A_372 : vector<256x1024xf32>
    %lt3A_374 = arith.constant 0.00999999977 : f32
    %lt3A_375 = vector.broadcast %lt3A_374 : f32 to vector<256x1024xf32>
    %lt3A_376 = arith.cmpf olt, %add3A_373, %lt3A_375 : vector<256x1024xf32>
    %convert_element_type3A_377 = arith.extui %lt3A_376 : vector<256x1024xi1> to vector<256x1024xi32>
    %convert_element_type3A_378 = arith.sitofp %convert_element_type3A_377 : vector<256x1024xi32> to vector<256x1024xf32>
    %convert_element_type3A_379 = arith.truncf %convert_element_type3A_378 : vector<256x1024xf32> to vector<256x1024xbf16>
    %dot_general3A_380 = arith.constant dense<0.000000e+00> : vector<256x1024xf32>
    %dot_general3A_381 = tpu.matmul %convert_element_type3A_379, %get3A_8, %dot_general3A_380 {dimension_numbers = #tpu.dot_dimension_numbers<[1], [0], [0], [1], [0, 0, 1, 1], [], []>, transpose_lhs_hint = false} : vector<256x1024xbf16>, vector<1024x1024xbf16>, vector<256x1024xf32> -> vector<256x1024xf32>
    %add3A_382 = vector.broadcast %add3A_214 : vector<256x1xf32> to vector<256x1024xf32>
    %add3A_383 = arith.addf %dot_general3A_381, %add3A_382 : vector<256x1024xf32>
    %slice3A_384 = vector.extract_strided_slice %dot_general3A_381 {offsets = [0, 1023], sizes = [256, 1], strides = [1, 1]} : vector<256x1024xf32> to vector<256x1xf32>
    %add3A_385 = arith.addf %add3A_214, %slice3A_384 : vector<256x1xf32>
    %le3A_386 = arith.constant 0.000000e+00 : f32
    %le3A_387 = vector.broadcast %le3A_386 : f32 to vector<256x1024xf32>
    %le3A_388 = arith.cmpf ole, %add3A_383, %le3A_387 : vector<256x1024xf32>
    %convert_element_type3A_389 = arith.extui %le3A_388 : vector<256x1024xi1> to vector<256x1024xi32>
    %convert_element_type3A_390 = arith.sitofp %convert_element_type3A_389 : vector<256x1024xi32> to vector<256x1024xf32>
    %reduce_sum3A_391 = arith.constant dense<0.000000e+00> : vector<256xf32>
    %reduce_sum3A_392 = vector.multi_reduction <add>, %convert_element_type3A_390, %reduce_sum3A_391 [1] : vector<256x1024xf32> to vector<256xf32>
    %broadcast_in_dim3A_393 = vector.shape_cast %reduce_sum3A_392 : vector<256xf32> to vector<256x1xf32>
    %le3A_394 = arith.constant 1.000000e+00 : f32
    %le3A_395 = vector.broadcast %le3A_394 : f32 to vector<256x1024xf32>
    %le3A_396 = arith.cmpf ole, %add3A_383, %le3A_395 : vector<256x1024xf32>
    %convert_element_type3A_397 = arith.extui %le3A_396 : vector<256x1024xi1> to vector<256x1024xi32>
    %convert_element_type3A_398 = arith.sitofp %convert_element_type3A_397 : vector<256x1024xi32> to vector<256x1024xf32>
    %reduce_sum3A_399 = arith.constant dense<0.000000e+00> : vector<256xf32>
    %reduce_sum3A_400 = vector.multi_reduction <add>, %convert_element_type3A_398, %reduce_sum3A_399 [1] : vector<256x1024xf32> to vector<256xf32>
    %broadcast_in_dim3A_401 = vector.shape_cast %reduce_sum3A_400 : vector<256xf32> to vector<256x1xf32>
    %le3A_402 = arith.constant 2.000000e+00 : f32
    %le3A_403 = vector.broadcast %le3A_402 : f32 to vector<256x1024xf32>
    %le3A_404 = arith.cmpf ole, %add3A_383, %le3A_403 : vector<256x1024xf32>
    %convert_element_type3A_405 = arith.extui %le3A_404 : vector<256x1024xi1> to vector<256x1024xi32>
    %convert_element_type3A_406 = arith.sitofp %convert_element_type3A_405 : vector<256x1024xi32> to vector<256x1024xf32>
    %reduce_sum3A_407 = arith.constant dense<0.000000e+00> : vector<256xf32>
    %reduce_sum3A_408 = vector.multi_reduction <add>, %convert_element_type3A_406, %reduce_sum3A_407 [1] : vector<256x1024xf32> to vector<256xf32>
    %broadcast_in_dim3A_409 = vector.shape_cast %reduce_sum3A_408 : vector<256xf32> to vector<256x1xf32>
    %le3A_410 = arith.constant 3.000000e+00 : f32
    %le3A_411 = vector.broadcast %le3A_410 : f32 to vector<256x1024xf32>
    %le3A_412 = arith.cmpf ole, %add3A_383, %le3A_411 : vector<256x1024xf32>
    %convert_element_type3A_413 = arith.extui %le3A_412 : vector<256x1024xi1> to vector<256x1024xi32>
    %convert_element_type3A_414 = arith.sitofp %convert_element_type3A_413 : vector<256x1024xi32> to vector<256x1024xf32>
    %reduce_sum3A_415 = arith.constant dense<0.000000e+00> : vector<256xf32>
    %reduce_sum3A_416 = vector.multi_reduction <add>, %convert_element_type3A_414, %reduce_sum3A_415 [1] : vector<256x1024xf32> to vector<256xf32>
    %broadcast_in_dim3A_417 = vector.shape_cast %reduce_sum3A_416 : vector<256xf32> to vector<256x1xf32>
    %le3A_418 = arith.constant 4.000000e+00 : f32
    %le3A_419 = vector.broadcast %le3A_418 : f32 to vector<256x1024xf32>
    %le3A_420 = arith.cmpf ole, %add3A_383, %le3A_419 : vector<256x1024xf32>
    %convert_element_type3A_421 = arith.extui %le3A_420 : vector<256x1024xi1> to vector<256x1024xi32>
    %convert_element_type3A_422 = arith.sitofp %convert_element_type3A_421 : vector<256x1024xi32> to vector<256x1024xf32>
    %reduce_sum3A_423 = arith.constant dense<0.000000e+00> : vector<256xf32>
    %reduce_sum3A_424 = vector.multi_reduction <add>, %convert_element_type3A_422, %reduce_sum3A_423 [1] : vector<256x1024xf32> to vector<256xf32>
    %broadcast_in_dim3A_425 = vector.shape_cast %reduce_sum3A_424 : vector<256xf32> to vector<256x1xf32>
    %le3A_426 = arith.constant 5.000000e+00 : f32
    %le3A_427 = vector.broadcast %le3A_426 : f32 to vector<256x1024xf32>
    %le3A_428 = arith.cmpf ole, %add3A_383, %le3A_427 : vector<256x1024xf32>
    %convert_element_type3A_429 = arith.extui %le3A_428 : vector<256x1024xi1> to vector<256x1024xi32>
    %convert_element_type3A_430 = arith.sitofp %convert_element_type3A_429 : vector<256x1024xi32> to vector<256x1024xf32>
    %reduce_sum3A_431 = arith.constant dense<0.000000e+00> : vector<256xf32>
    %reduce_sum3A_432 = vector.multi_reduction <add>, %convert_element_type3A_430, %reduce_sum3A_431 [1] : vector<256x1024xf32> to vector<256xf32>
    %broadcast_in_dim3A_433 = vector.shape_cast %reduce_sum3A_432 : vector<256xf32> to vector<256x1xf32>
    %le3A_434 = arith.constant 6.000000e+00 : f32
    %le3A_435 = vector.broadcast %le3A_434 : f32 to vector<256x1024xf32>
    %le3A_436 = arith.cmpf ole, %add3A_383, %le3A_435 : vector<256x1024xf32>
    %convert_element_type3A_437 = arith.extui %le3A_436 : vector<256x1024xi1> to vector<256x1024xi32>
    %convert_element_type3A_438 = arith.sitofp %convert_element_type3A_437 : vector<256x1024xi32> to vector<256x1024xf32>
    %reduce_sum3A_439 = arith.constant dense<0.000000e+00> : vector<256xf32>
    %reduce_sum3A_440 = vector.multi_reduction <add>, %convert_element_type3A_438, %reduce_sum3A_439 [1] : vector<256x1024xf32> to vector<256xf32>
    %broadcast_in_dim3A_441 = vector.shape_cast %reduce_sum3A_440 : vector<256xf32> to vector<256x1xf32>
    %le3A_442 = arith.constant 7.000000e+00 : f32
    %le3A_443 = vector.broadcast %le3A_442 : f32 to vector<256x1024xf32>
    %le3A_444 = arith.cmpf ole, %add3A_383, %le3A_443 : vector<256x1024xf32>
    %convert_element_type3A_445 = arith.extui %le3A_444 : vector<256x1024xi1> to vector<256x1024xi32>
    %convert_element_type3A_446 = arith.sitofp %convert_element_type3A_445 : vector<256x1024xi32> to vector<256x1024xf32>
    %reduce_sum3A_447 = arith.constant dense<0.000000e+00> : vector<256xf32>
    %reduce_sum3A_448 = vector.multi_reduction <add>, %convert_element_type3A_446, %reduce_sum3A_447 [1] : vector<256x1024xf32> to vector<256xf32>
    %broadcast_in_dim3A_449 = vector.shape_cast %reduce_sum3A_448 : vector<256xf32> to vector<256x1xf32>
    %le3A_450 = arith.constant 8.000000e+00 : f32
    %le3A_451 = vector.broadcast %le3A_450 : f32 to vector<256x1024xf32>
    %le3A_452 = arith.cmpf ole, %add3A_383, %le3A_451 : vector<256x1024xf32>
    %convert_element_type3A_453 = arith.extui %le3A_452 : vector<256x1024xi1> to vector<256x1024xi32>
    %convert_element_type3A_454 = arith.sitofp %convert_element_type3A_453 : vector<256x1024xi32> to vector<256x1024xf32>
    %reduce_sum3A_455 = arith.constant dense<0.000000e+00> : vector<256xf32>
    %reduce_sum3A_456 = vector.multi_reduction <add>, %convert_element_type3A_454, %reduce_sum3A_455 [1] : vector<256x1024xf32> to vector<256xf32>
    %broadcast_in_dim3A_457 = vector.shape_cast %reduce_sum3A_456 : vector<256xf32> to vector<256x1xf32>
    %le3A_458 = arith.constant 9.000000e+00 : f32
    %le3A_459 = vector.broadcast %le3A_458 : f32 to vector<256x1024xf32>
    %le3A_460 = arith.cmpf ole, %add3A_383, %le3A_459 : vector<256x1024xf32>
    %convert_element_type3A_461 = arith.extui %le3A_460 : vector<256x1024xi1> to vector<256x1024xi32>
    %convert_element_type3A_462 = arith.sitofp %convert_element_type3A_461 : vector<256x1024xi32> to vector<256x1024xf32>
    %reduce_sum3A_463 = arith.constant dense<0.000000e+00> : vector<256xf32>
    %reduce_sum3A_464 = vector.multi_reduction <add>, %convert_element_type3A_462, %reduce_sum3A_463 [1] : vector<256x1024xf32> to vector<256xf32>
    %broadcast_in_dim3A_465 = vector.shape_cast %reduce_sum3A_464 : vector<256xf32> to vector<256x1xf32>
    %le3A_466 = arith.constant 1.000000e+01 : f32
    %le3A_467 = vector.broadcast %le3A_466 : f32 to vector<256x1024xf32>
    %le3A_468 = arith.cmpf ole, %add3A_383, %le3A_467 : vector<256x1024xf32>
    %convert_element_type3A_469 = arith.extui %le3A_468 : vector<256x1024xi1> to vector<256x1024xi32>
    %convert_element_type3A_470 = arith.sitofp %convert_element_type3A_469 : vector<256x1024xi32> to vector<256x1024xf32>
    %reduce_sum3A_471 = arith.constant dense<0.000000e+00> : vector<256xf32>
    %reduce_sum3A_472 = vector.multi_reduction <add>, %convert_element_type3A_470, %reduce_sum3A_471 [1] : vector<256x1024xf32> to vector<256xf32>
    %broadcast_in_dim3A_473 = vector.shape_cast %reduce_sum3A_472 : vector<256xf32> to vector<256x1xf32>
    %le3A_474 = arith.constant 1.100000e+01 : f32
    %le3A_475 = vector.broadcast %le3A_474 : f32 to vector<256x1024xf32>
    %le3A_476 = arith.cmpf ole, %add3A_383, %le3A_475 : vector<256x1024xf32>
    %convert_element_type3A_477 = arith.extui %le3A_476 : vector<256x1024xi1> to vector<256x1024xi32>
    %convert_element_type3A_478 = arith.sitofp %convert_element_type3A_477 : vector<256x1024xi32> to vector<256x1024xf32>
    %reduce_sum3A_479 = arith.constant dense<0.000000e+00> : vector<256xf32>
    %reduce_sum3A_480 = vector.multi_reduction <add>, %convert_element_type3A_478, %reduce_sum3A_479 [1] : vector<256x1024xf32> to vector<256xf32>
    %broadcast_in_dim3A_481 = vector.shape_cast %reduce_sum3A_480 : vector<256xf32> to vector<256x1xf32>
    %le3A_482 = arith.constant 1.200000e+01 : f32
    %le3A_483 = vector.broadcast %le3A_482 : f32 to vector<256x1024xf32>
    %le3A_484 = arith.cmpf ole, %add3A_383, %le3A_483 : vector<256x1024xf32>
    %convert_element_type3A_485 = arith.extui %le3A_484 : vector<256x1024xi1> to vector<256x1024xi32>
    %convert_element_type3A_486 = arith.sitofp %convert_element_type3A_485 : vector<256x1024xi32> to vector<256x1024xf32>
    %reduce_sum3A_487 = arith.constant dense<0.000000e+00> : vector<256xf32>
    %reduce_sum3A_488 = vector.multi_reduction <add>, %convert_element_type3A_486, %reduce_sum3A_487 [1] : vector<256x1024xf32> to vector<256xf32>
    %broadcast_in_dim3A_489 = vector.shape_cast %reduce_sum3A_488 : vector<256xf32> to vector<256x1xf32>
    %le3A_490 = arith.constant 1.300000e+01 : f32
    %le3A_491 = vector.broadcast %le3A_490 : f32 to vector<256x1024xf32>
    %le3A_492 = arith.cmpf ole, %add3A_383, %le3A_491 : vector<256x1024xf32>
    %convert_element_type3A_493 = arith.extui %le3A_492 : vector<256x1024xi1> to vector<256x1024xi32>
    %convert_element_type3A_494 = arith.sitofp %convert_element_type3A_493 : vector<256x1024xi32> to vector<256x1024xf32>
    %reduce_sum3A_495 = arith.constant dense<0.000000e+00> : vector<256xf32>
    %reduce_sum3A_496 = vector.multi_reduction <add>, %convert_element_type3A_494, %reduce_sum3A_495 [1] : vector<256x1024xf32> to vector<256xf32>
    %broadcast_in_dim3A_497 = vector.shape_cast %reduce_sum3A_496 : vector<256xf32> to vector<256x1xf32>
    %le3A_498 = arith.constant 1.400000e+01 : f32
    %le3A_499 = vector.broadcast %le3A_498 : f32 to vector<256x1024xf32>
    %le3A_500 = arith.cmpf ole, %add3A_383, %le3A_499 : vector<256x1024xf32>
    %convert_element_type3A_501 = arith.extui %le3A_500 : vector<256x1024xi1> to vector<256x1024xi32>
    %convert_element_type3A_502 = arith.sitofp %convert_element_type3A_501 : vector<256x1024xi32> to vector<256x1024xf32>
    %reduce_sum3A_503 = arith.constant dense<0.000000e+00> : vector<256xf32>
    %reduce_sum3A_504 = vector.multi_reduction <add>, %convert_element_type3A_502, %reduce_sum3A_503 [1] : vector<256x1024xf32> to vector<256xf32>
    %broadcast_in_dim3A_505 = vector.shape_cast %reduce_sum3A_504 : vector<256xf32> to vector<256x1xf32>
    %le3A_506 = arith.constant 1.500000e+01 : f32
    %le3A_507 = vector.broadcast %le3A_506 : f32 to vector<256x1024xf32>
    %le3A_508 = arith.cmpf ole, %add3A_383, %le3A_507 : vector<256x1024xf32>
    %convert_element_type3A_509 = arith.extui %le3A_508 : vector<256x1024xi1> to vector<256x1024xi32>
    %convert_element_type3A_510 = arith.sitofp %convert_element_type3A_509 : vector<256x1024xi32> to vector<256x1024xf32>
    %reduce_sum3A_511 = arith.constant dense<0.000000e+00> : vector<256xf32>
    %reduce_sum3A_512 = vector.multi_reduction <add>, %convert_element_type3A_510, %reduce_sum3A_511 [1] : vector<256x1024xf32> to vector<256xf32>
    %broadcast_in_dim3A_513 = vector.shape_cast %reduce_sum3A_512 : vector<256xf32> to vector<256x1xf32>
    %concatenate3A_514 = tpu.concatenate %broadcast_in_dim3A_393, %broadcast_in_dim3A_401, %broadcast_in_dim3A_409, %broadcast_in_dim3A_417, %broadcast_in_dim3A_425, %broadcast_in_dim3A_433, %broadcast_in_dim3A_441, %broadcast_in_dim3A_449, %broadcast_in_dim3A_457, %broadcast_in_dim3A_465, %broadcast_in_dim3A_473, %broadcast_in_dim3A_481, %broadcast_in_dim3A_489, %broadcast_in_dim3A_497, %broadcast_in_dim3A_505, %broadcast_in_dim3A_513 in 1 : vector<256x1xf32>, vector<256x1xf32>, vector<256x1xf32>, vector<256x1xf32>, vector<256x1xf32>, vector<256x1xf32>, vector<256x1xf32>, vector<256x1xf32>, vector<256x1xf32>, vector<256x1xf32>, vector<256x1xf32>, vector<256x1xf32>, vector<256x1xf32>, vector<256x1xf32>, vector<256x1xf32>, vector<256x1xf32> -> vector<256x16xf32>
    %add3A_515 = arith.addf %add3A_344, %concatenate3A_514 : vector<256x16xf32>
    %get3A_516 = arith.constant 0 : index
    %get3A_517 = arith.constant 0 : index
    %get3A_518 = arith.constant 3072 : index
    %get3A_519 = vector.load %arg3[%get3A_516, %get3A_517, %get3A_518] : memref<1x3x8192xf32, #tpu.memory_space<vmem>>, vector<1x1x1024xf32>
    %get3A_520 = vector.shape_cast %get3A_519 : vector<1x1x1024xf32> to vector<1x1024xf32>
    %get3A_521 = arith.constant 0 : index
    %get3A_522 = arith.constant 1 : index
    %get3A_523 = arith.constant 3072 : index
    %get3A_524 = vector.load %arg3[%get3A_521, %get3A_522, %get3A_523] : memref<1x3x8192xf32, #tpu.memory_space<vmem>>, vector<1x1x1024xf32>
    %get3A_525 = vector.shape_cast %get3A_524 : vector<1x1x1024xf32> to vector<1x1024xf32>
    %get3A_526 = arith.constant 0 : index
    %get3A_527 = arith.constant 2 : index
    %get3A_528 = arith.constant 3072 : index
    %get3A_529 = vector.load %arg3[%get3A_526, %get3A_527, %get3A_528] : memref<1x3x8192xf32, #tpu.memory_space<vmem>>, vector<1x1x1024xf32>
    %get3A_530 = vector.shape_cast %get3A_529 : vector<1x1x1024xf32> to vector<1x1024xf32>
    %sub3A_531 = vector.broadcast %slice3A : vector<256x1xf32> to vector<256x1024xf32>
    %sub3A_532 = vector.broadcast %get3A_520 : vector<1x1024xf32> to vector<256x1024xf32>
    %sub3A_533 = arith.subf %sub3A_531, %sub3A_532 : vector<256x1024xf32>
    %sub3A_534 = vector.broadcast %slice3A_4 : vector<256x1xf32> to vector<256x1024xf32>
    %sub3A_535 = vector.broadcast %get3A_525 : vector<1x1024xf32> to vector<256x1024xf32>
    %sub3A_536 = arith.subf %sub3A_534, %sub3A_535 : vector<256x1024xf32>
    %sub3A_537 = vector.broadcast %slice3A_5 : vector<256x1xf32> to vector<256x1024xf32>
    %sub3A_538 = vector.broadcast %get3A_530 : vector<1x1024xf32> to vector<256x1024xf32>
    %sub3A_539 = arith.subf %sub3A_537, %sub3A_538 : vector<256x1024xf32>
    %mul3A_540 = arith.mulf %sub3A_533, %sub3A_533 : vector<256x1024xf32>
    %mul3A_541 = arith.mulf %sub3A_536, %sub3A_536 : vector<256x1024xf32>
    %add3A_542 = arith.addf %mul3A_540, %mul3A_541 : vector<256x1024xf32>
    %mul3A_543 = arith.mulf %sub3A_539, %sub3A_539 : vector<256x1024xf32>
    %add3A_544 = arith.addf %add3A_542, %mul3A_543 : vector<256x1024xf32>
    %lt3A_545 = arith.constant 0.00999999977 : f32
    %lt3A_546 = vector.broadcast %lt3A_545 : f32 to vector<256x1024xf32>
    %lt3A_547 = arith.cmpf olt, %add3A_544, %lt3A_546 : vector<256x1024xf32>
    %convert_element_type3A_548 = arith.extui %lt3A_547 : vector<256x1024xi1> to vector<256x1024xi32>
    %convert_element_type3A_549 = arith.sitofp %convert_element_type3A_548 : vector<256x1024xi32> to vector<256x1024xf32>
    %convert_element_type3A_550 = arith.truncf %convert_element_type3A_549 : vector<256x1024xf32> to vector<256x1024xbf16>
    %dot_general3A_551 = arith.constant dense<0.000000e+00> : vector<256x1024xf32>
    %dot_general3A_552 = tpu.matmul %convert_element_type3A_550, %get3A_8, %dot_general3A_551 {dimension_numbers = #tpu.dot_dimension_numbers<[1], [0], [0], [1], [0, 0, 1, 1], [], []>, transpose_lhs_hint = false} : vector<256x1024xbf16>, vector<1024x1024xbf16>, vector<256x1024xf32> -> vector<256x1024xf32>
    %add3A_553 = vector.broadcast %add3A_385 : vector<256x1xf32> to vector<256x1024xf32>
    %add3A_554 = arith.addf %dot_general3A_552, %add3A_553 : vector<256x1024xf32>
    %slice3A_555 = vector.extract_strided_slice %dot_general3A_552 {offsets = [0, 1023], sizes = [256, 1], strides = [1, 1]} : vector<256x1024xf32> to vector<256x1xf32>
    %add3A_556 = arith.addf %add3A_385, %slice3A_555 : vector<256x1xf32>
    %le3A_557 = arith.constant 0.000000e+00 : f32
    %le3A_558 = vector.broadcast %le3A_557 : f32 to vector<256x1024xf32>
    %le3A_559 = arith.cmpf ole, %add3A_554, %le3A_558 : vector<256x1024xf32>
    %convert_element_type3A_560 = arith.extui %le3A_559 : vector<256x1024xi1> to vector<256x1024xi32>
    %convert_element_type3A_561 = arith.sitofp %convert_element_type3A_560 : vector<256x1024xi32> to vector<256x1024xf32>
    %reduce_sum3A_562 = arith.constant dense<0.000000e+00> : vector<256xf32>
    %reduce_sum3A_563 = vector.multi_reduction <add>, %convert_element_type3A_561, %reduce_sum3A_562 [1] : vector<256x1024xf32> to vector<256xf32>
    %broadcast_in_dim3A_564 = vector.shape_cast %reduce_sum3A_563 : vector<256xf32> to vector<256x1xf32>
    %le3A_565 = arith.constant 1.000000e+00 : f32
    %le3A_566 = vector.broadcast %le3A_565 : f32 to vector<256x1024xf32>
    %le3A_567 = arith.cmpf ole, %add3A_554, %le3A_566 : vector<256x1024xf32>
    %convert_element_type3A_568 = arith.extui %le3A_567 : vector<256x1024xi1> to vector<256x1024xi32>
    %convert_element_type3A_569 = arith.sitofp %convert_element_type3A_568 : vector<256x1024xi32> to vector<256x1024xf32>
    %reduce_sum3A_570 = arith.constant dense<0.000000e+00> : vector<256xf32>
    %reduce_sum3A_571 = vector.multi_reduction <add>, %convert_element_type3A_569, %reduce_sum3A_570 [1] : vector<256x1024xf32> to vector<256xf32>
    %broadcast_in_dim3A_572 = vector.shape_cast %reduce_sum3A_571 : vector<256xf32> to vector<256x1xf32>
    %le3A_573 = arith.constant 2.000000e+00 : f32
    %le3A_574 = vector.broadcast %le3A_573 : f32 to vector<256x1024xf32>
    %le3A_575 = arith.cmpf ole, %add3A_554, %le3A_574 : vector<256x1024xf32>
    %convert_element_type3A_576 = arith.extui %le3A_575 : vector<256x1024xi1> to vector<256x1024xi32>
    %convert_element_type3A_577 = arith.sitofp %convert_element_type3A_576 : vector<256x1024xi32> to vector<256x1024xf32>
    %reduce_sum3A_578 = arith.constant dense<0.000000e+00> : vector<256xf32>
    %reduce_sum3A_579 = vector.multi_reduction <add>, %convert_element_type3A_577, %reduce_sum3A_578 [1] : vector<256x1024xf32> to vector<256xf32>
    %broadcast_in_dim3A_580 = vector.shape_cast %reduce_sum3A_579 : vector<256xf32> to vector<256x1xf32>
    %le3A_581 = arith.constant 3.000000e+00 : f32
    %le3A_582 = vector.broadcast %le3A_581 : f32 to vector<256x1024xf32>
    %le3A_583 = arith.cmpf ole, %add3A_554, %le3A_582 : vector<256x1024xf32>
    %convert_element_type3A_584 = arith.extui %le3A_583 : vector<256x1024xi1> to vector<256x1024xi32>
    %convert_element_type3A_585 = arith.sitofp %convert_element_type3A_584 : vector<256x1024xi32> to vector<256x1024xf32>
    %reduce_sum3A_586 = arith.constant dense<0.000000e+00> : vector<256xf32>
    %reduce_sum3A_587 = vector.multi_reduction <add>, %convert_element_type3A_585, %reduce_sum3A_586 [1] : vector<256x1024xf32> to vector<256xf32>
    %broadcast_in_dim3A_588 = vector.shape_cast %reduce_sum3A_587 : vector<256xf32> to vector<256x1xf32>
    %le3A_589 = arith.constant 4.000000e+00 : f32
    %le3A_590 = vector.broadcast %le3A_589 : f32 to vector<256x1024xf32>
    %le3A_591 = arith.cmpf ole, %add3A_554, %le3A_590 : vector<256x1024xf32>
    %convert_element_type3A_592 = arith.extui %le3A_591 : vector<256x1024xi1> to vector<256x1024xi32>
    %convert_element_type3A_593 = arith.sitofp %convert_element_type3A_592 : vector<256x1024xi32> to vector<256x1024xf32>
    %reduce_sum3A_594 = arith.constant dense<0.000000e+00> : vector<256xf32>
    %reduce_sum3A_595 = vector.multi_reduction <add>, %convert_element_type3A_593, %reduce_sum3A_594 [1] : vector<256x1024xf32> to vector<256xf32>
    %broadcast_in_dim3A_596 = vector.shape_cast %reduce_sum3A_595 : vector<256xf32> to vector<256x1xf32>
    %le3A_597 = arith.constant 5.000000e+00 : f32
    %le3A_598 = vector.broadcast %le3A_597 : f32 to vector<256x1024xf32>
    %le3A_599 = arith.cmpf ole, %add3A_554, %le3A_598 : vector<256x1024xf32>
    %convert_element_type3A_600 = arith.extui %le3A_599 : vector<256x1024xi1> to vector<256x1024xi32>
    %convert_element_type3A_601 = arith.sitofp %convert_element_type3A_600 : vector<256x1024xi32> to vector<256x1024xf32>
    %reduce_sum3A_602 = arith.constant dense<0.000000e+00> : vector<256xf32>
    %reduce_sum3A_603 = vector.multi_reduction <add>, %convert_element_type3A_601, %reduce_sum3A_602 [1] : vector<256x1024xf32> to vector<256xf32>
    %broadcast_in_dim3A_604 = vector.shape_cast %reduce_sum3A_603 : vector<256xf32> to vector<256x1xf32>
    %le3A_605 = arith.constant 6.000000e+00 : f32
    %le3A_606 = vector.broadcast %le3A_605 : f32 to vector<256x1024xf32>
    %le3A_607 = arith.cmpf ole, %add3A_554, %le3A_606 : vector<256x1024xf32>
    %convert_element_type3A_608 = arith.extui %le3A_607 : vector<256x1024xi1> to vector<256x1024xi32>
    %convert_element_type3A_609 = arith.sitofp %convert_element_type3A_608 : vector<256x1024xi32> to vector<256x1024xf32>
    %reduce_sum3A_610 = arith.constant dense<0.000000e+00> : vector<256xf32>
    %reduce_sum3A_611 = vector.multi_reduction <add>, %convert_element_type3A_609, %reduce_sum3A_610 [1] : vector<256x1024xf32> to vector<256xf32>
    %broadcast_in_dim3A_612 = vector.shape_cast %reduce_sum3A_611 : vector<256xf32> to vector<256x1xf32>
    %le3A_613 = arith.constant 7.000000e+00 : f32
    %le3A_614 = vector.broadcast %le3A_613 : f32 to vector<256x1024xf32>
    %le3A_615 = arith.cmpf ole, %add3A_554, %le3A_614 : vector<256x1024xf32>
    %convert_element_type3A_616 = arith.extui %le3A_615 : vector<256x1024xi1> to vector<256x1024xi32>
    %convert_element_type3A_617 = arith.sitofp %convert_element_type3A_616 : vector<256x1024xi32> to vector<256x1024xf32>
    %reduce_sum3A_618 = arith.constant dense<0.000000e+00> : vector<256xf32>
    %reduce_sum3A_619 = vector.multi_reduction <add>, %convert_element_type3A_617, %reduce_sum3A_618 [1] : vector<256x1024xf32> to vector<256xf32>
    %broadcast_in_dim3A_620 = vector.shape_cast %reduce_sum3A_619 : vector<256xf32> to vector<256x1xf32>
    %le3A_621 = arith.constant 8.000000e+00 : f32
    %le3A_622 = vector.broadcast %le3A_621 : f32 to vector<256x1024xf32>
    %le3A_623 = arith.cmpf ole, %add3A_554, %le3A_622 : vector<256x1024xf32>
    %convert_element_type3A_624 = arith.extui %le3A_623 : vector<256x1024xi1> to vector<256x1024xi32>
    %convert_element_type3A_625 = arith.sitofp %convert_element_type3A_624 : vector<256x1024xi32> to vector<256x1024xf32>
    %reduce_sum3A_626 = arith.constant dense<0.000000e+00> : vector<256xf32>
    %reduce_sum3A_627 = vector.multi_reduction <add>, %convert_element_type3A_625, %reduce_sum3A_626 [1] : vector<256x1024xf32> to vector<256xf32>
    %broadcast_in_dim3A_628 = vector.shape_cast %reduce_sum3A_627 : vector<256xf32> to vector<256x1xf32>
    %le3A_629 = arith.constant 9.000000e+00 : f32
    %le3A_630 = vector.broadcast %le3A_629 : f32 to vector<256x1024xf32>
    %le3A_631 = arith.cmpf ole, %add3A_554, %le3A_630 : vector<256x1024xf32>
    %convert_element_type3A_632 = arith.extui %le3A_631 : vector<256x1024xi1> to vector<256x1024xi32>
    %convert_element_type3A_633 = arith.sitofp %convert_element_type3A_632 : vector<256x1024xi32> to vector<256x1024xf32>
    %reduce_sum3A_634 = arith.constant dense<0.000000e+00> : vector<256xf32>
    %reduce_sum3A_635 = vector.multi_reduction <add>, %convert_element_type3A_633, %reduce_sum3A_634 [1] : vector<256x1024xf32> to vector<256xf32>
    %broadcast_in_dim3A_636 = vector.shape_cast %reduce_sum3A_635 : vector<256xf32> to vector<256x1xf32>
    %le3A_637 = arith.constant 1.000000e+01 : f32
    %le3A_638 = vector.broadcast %le3A_637 : f32 to vector<256x1024xf32>
    %le3A_639 = arith.cmpf ole, %add3A_554, %le3A_638 : vector<256x1024xf32>
    %convert_element_type3A_640 = arith.extui %le3A_639 : vector<256x1024xi1> to vector<256x1024xi32>
    %convert_element_type3A_641 = arith.sitofp %convert_element_type3A_640 : vector<256x1024xi32> to vector<256x1024xf32>
    %reduce_sum3A_642 = arith.constant dense<0.000000e+00> : vector<256xf32>
    %reduce_sum3A_643 = vector.multi_reduction <add>, %convert_element_type3A_641, %reduce_sum3A_642 [1] : vector<256x1024xf32> to vector<256xf32>
    %broadcast_in_dim3A_644 = vector.shape_cast %reduce_sum3A_643 : vector<256xf32> to vector<256x1xf32>
    %le3A_645 = arith.constant 1.100000e+01 : f32
    %le3A_646 = vector.broadcast %le3A_645 : f32 to vector<256x1024xf32>
    %le3A_647 = arith.cmpf ole, %add3A_554, %le3A_646 : vector<256x1024xf32>
    %convert_element_type3A_648 = arith.extui %le3A_647 : vector<256x1024xi1> to vector<256x1024xi32>
    %convert_element_type3A_649 = arith.sitofp %convert_element_type3A_648 : vector<256x1024xi32> to vector<256x1024xf32>
    %reduce_sum3A_650 = arith.constant dense<0.000000e+00> : vector<256xf32>
    %reduce_sum3A_651 = vector.multi_reduction <add>, %convert_element_type3A_649, %reduce_sum3A_650 [1] : vector<256x1024xf32> to vector<256xf32>
    %broadcast_in_dim3A_652 = vector.shape_cast %reduce_sum3A_651 : vector<256xf32> to vector<256x1xf32>
    %le3A_653 = arith.constant 1.200000e+01 : f32
    %le3A_654 = vector.broadcast %le3A_653 : f32 to vector<256x1024xf32>
    %le3A_655 = arith.cmpf ole, %add3A_554, %le3A_654 : vector<256x1024xf32>
    %convert_element_type3A_656 = arith.extui %le3A_655 : vector<256x1024xi1> to vector<256x1024xi32>
    %convert_element_type3A_657 = arith.sitofp %convert_element_type3A_656 : vector<256x1024xi32> to vector<256x1024xf32>
    %reduce_sum3A_658 = arith.constant dense<0.000000e+00> : vector<256xf32>
    %reduce_sum3A_659 = vector.multi_reduction <add>, %convert_element_type3A_657, %reduce_sum3A_658 [1] : vector<256x1024xf32> to vector<256xf32>
    %broadcast_in_dim3A_660 = vector.shape_cast %reduce_sum3A_659 : vector<256xf32> to vector<256x1xf32>
    %le3A_661 = arith.constant 1.300000e+01 : f32
    %le3A_662 = vector.broadcast %le3A_661 : f32 to vector<256x1024xf32>
    %le3A_663 = arith.cmpf ole, %add3A_554, %le3A_662 : vector<256x1024xf32>
    %convert_element_type3A_664 = arith.extui %le3A_663 : vector<256x1024xi1> to vector<256x1024xi32>
    %convert_element_type3A_665 = arith.sitofp %convert_element_type3A_664 : vector<256x1024xi32> to vector<256x1024xf32>
    %reduce_sum3A_666 = arith.constant dense<0.000000e+00> : vector<256xf32>
    %reduce_sum3A_667 = vector.multi_reduction <add>, %convert_element_type3A_665, %reduce_sum3A_666 [1] : vector<256x1024xf32> to vector<256xf32>
    %broadcast_in_dim3A_668 = vector.shape_cast %reduce_sum3A_667 : vector<256xf32> to vector<256x1xf32>
    %le3A_669 = arith.constant 1.400000e+01 : f32
    %le3A_670 = vector.broadcast %le3A_669 : f32 to vector<256x1024xf32>
    %le3A_671 = arith.cmpf ole, %add3A_554, %le3A_670 : vector<256x1024xf32>
    %convert_element_type3A_672 = arith.extui %le3A_671 : vector<256x1024xi1> to vector<256x1024xi32>
    %convert_element_type3A_673 = arith.sitofp %convert_element_type3A_672 : vector<256x1024xi32> to vector<256x1024xf32>
    %reduce_sum3A_674 = arith.constant dense<0.000000e+00> : vector<256xf32>
    %reduce_sum3A_675 = vector.multi_reduction <add>, %convert_element_type3A_673, %reduce_sum3A_674 [1] : vector<256x1024xf32> to vector<256xf32>
    %broadcast_in_dim3A_676 = vector.shape_cast %reduce_sum3A_675 : vector<256xf32> to vector<256x1xf32>
    %le3A_677 = arith.constant 1.500000e+01 : f32
    %le3A_678 = vector.broadcast %le3A_677 : f32 to vector<256x1024xf32>
    %le3A_679 = arith.cmpf ole, %add3A_554, %le3A_678 : vector<256x1024xf32>
    %convert_element_type3A_680 = arith.extui %le3A_679 : vector<256x1024xi1> to vector<256x1024xi32>
    %convert_element_type3A_681 = arith.sitofp %convert_element_type3A_680 : vector<256x1024xi32> to vector<256x1024xf32>
    %reduce_sum3A_682 = arith.constant dense<0.000000e+00> : vector<256xf32>
    %reduce_sum3A_683 = vector.multi_reduction <add>, %convert_element_type3A_681, %reduce_sum3A_682 [1] : vector<256x1024xf32> to vector<256xf32>
    %broadcast_in_dim3A_684 = vector.shape_cast %reduce_sum3A_683 : vector<256xf32> to vector<256x1xf32>
    %concatenate3A_685 = tpu.concatenate %broadcast_in_dim3A_564, %broadcast_in_dim3A_572, %broadcast_in_dim3A_580, %broadcast_in_dim3A_588, %broadcast_in_dim3A_596, %broadcast_in_dim3A_604, %broadcast_in_dim3A_612, %broadcast_in_dim3A_620, %broadcast_in_dim3A_628, %broadcast_in_dim3A_636, %broadcast_in_dim3A_644, %broadcast_in_dim3A_652, %broadcast_in_dim3A_660, %broadcast_in_dim3A_668, %broadcast_in_dim3A_676, %broadcast_in_dim3A_684 in 1 : vector<256x1xf32>, vector<256x1xf32>, vector<256x1xf32>, vector<256x1xf32>, vector<256x1xf32>, vector<256x1xf32>, vector<256x1xf32>, vector<256x1xf32>, vector<256x1xf32>, vector<256x1xf32>, vector<256x1xf32>, vector<256x1xf32>, vector<256x1xf32>, vector<256x1xf32>, vector<256x1xf32>, vector<256x1xf32> -> vector<256x16xf32>
    %add3A_686 = arith.addf %add3A_515, %concatenate3A_685 : vector<256x16xf32>
    %get3A_687 = arith.constant 0 : index
    %get3A_688 = arith.constant 0 : index
    %get3A_689 = arith.constant 4096 : index
    %get3A_690 = vector.load %arg3[%get3A_687, %get3A_688, %get3A_689] : memref<1x3x8192xf32, #tpu.memory_space<vmem>>, vector<1x1x1024xf32>
    %get3A_691 = vector.shape_cast %get3A_690 : vector<1x1x1024xf32> to vector<1x1024xf32>
    %get3A_692 = arith.constant 0 : index
    %get3A_693 = arith.constant 1 : index
    %get3A_694 = arith.constant 4096 : index
    %get3A_695 = vector.load %arg3[%get3A_692, %get3A_693, %get3A_694] : memref<1x3x8192xf32, #tpu.memory_space<vmem>>, vector<1x1x1024xf32>
    %get3A_696 = vector.shape_cast %get3A_695 : vector<1x1x1024xf32> to vector<1x1024xf32>
    %get3A_697 = arith.constant 0 : index
    %get3A_698 = arith.constant 2 : index
    %get3A_699 = arith.constant 4096 : index
    %get3A_700 = vector.load %arg3[%get3A_697, %get3A_698, %get3A_699] : memref<1x3x8192xf32, #tpu.memory_space<vmem>>, vector<1x1x1024xf32>
    %get3A_701 = vector.shape_cast %get3A_700 : vector<1x1x1024xf32> to vector<1x1024xf32>
    %sub3A_702 = vector.broadcast %slice3A : vector<256x1xf32> to vector<256x1024xf32>
    %sub3A_703 = vector.broadcast %get3A_691 : vector<1x1024xf32> to vector<256x1024xf32>
    %sub3A_704 = arith.subf %sub3A_702, %sub3A_703 : vector<256x1024xf32>
    %sub3A_705 = vector.broadcast %slice3A_4 : vector<256x1xf32> to vector<256x1024xf32>
    %sub3A_706 = vector.broadcast %get3A_696 : vector<1x1024xf32> to vector<256x1024xf32>
    %sub3A_707 = arith.subf %sub3A_705, %sub3A_706 : vector<256x1024xf32>
    %sub3A_708 = vector.broadcast %slice3A_5 : vector<256x1xf32> to vector<256x1024xf32>
    %sub3A_709 = vector.broadcast %get3A_701 : vector<1x1024xf32> to vector<256x1024xf32>
    %sub3A_710 = arith.subf %sub3A_708, %sub3A_709 : vector<256x1024xf32>
    %mul3A_711 = arith.mulf %sub3A_704, %sub3A_704 : vector<256x1024xf32>
    %mul3A_712 = arith.mulf %sub3A_707, %sub3A_707 : vector<256x1024xf32>
    %add3A_713 = arith.addf %mul3A_711, %mul3A_712 : vector<256x1024xf32>
    %mul3A_714 = arith.mulf %sub3A_710, %sub3A_710 : vector<256x1024xf32>
    %add3A_715 = arith.addf %add3A_713, %mul3A_714 : vector<256x1024xf32>
    %lt3A_716 = arith.constant 0.00999999977 : f32
    %lt3A_717 = vector.broadcast %lt3A_716 : f32 to vector<256x1024xf32>
    %lt3A_718 = arith.cmpf olt, %add3A_715, %lt3A_717 : vector<256x1024xf32>
    %convert_element_type3A_719 = arith.extui %lt3A_718 : vector<256x1024xi1> to vector<256x1024xi32>
    %convert_element_type3A_720 = arith.sitofp %convert_element_type3A_719 : vector<256x1024xi32> to vector<256x1024xf32>
    %convert_element_type3A_721 = arith.truncf %convert_element_type3A_720 : vector<256x1024xf32> to vector<256x1024xbf16>
    %dot_general3A_722 = arith.constant dense<0.000000e+00> : vector<256x1024xf32>
    %dot_general3A_723 = tpu.matmul %convert_element_type3A_721, %get3A_8, %dot_general3A_722 {dimension_numbers = #tpu.dot_dimension_numbers<[1], [0], [0], [1], [0, 0, 1, 1], [], []>, transpose_lhs_hint = false} : vector<256x1024xbf16>, vector<1024x1024xbf16>, vector<256x1024xf32> -> vector<256x1024xf32>
    %add3A_724 = vector.broadcast %add3A_556 : vector<256x1xf32> to vector<256x1024xf32>
    %add3A_725 = arith.addf %dot_general3A_723, %add3A_724 : vector<256x1024xf32>
    %slice3A_726 = vector.extract_strided_slice %dot_general3A_723 {offsets = [0, 1023], sizes = [256, 1], strides = [1, 1]} : vector<256x1024xf32> to vector<256x1xf32>
    %add3A_727 = arith.addf %add3A_556, %slice3A_726 : vector<256x1xf32>
    %le3A_728 = arith.constant 0.000000e+00 : f32
    %le3A_729 = vector.broadcast %le3A_728 : f32 to vector<256x1024xf32>
    %le3A_730 = arith.cmpf ole, %add3A_725, %le3A_729 : vector<256x1024xf32>
    %convert_element_type3A_731 = arith.extui %le3A_730 : vector<256x1024xi1> to vector<256x1024xi32>
    %convert_element_type3A_732 = arith.sitofp %convert_element_type3A_731 : vector<256x1024xi32> to vector<256x1024xf32>
    %reduce_sum3A_733 = arith.constant dense<0.000000e+00> : vector<256xf32>
    %reduce_sum3A_734 = vector.multi_reduction <add>, %convert_element_type3A_732, %reduce_sum3A_733 [1] : vector<256x1024xf32> to vector<256xf32>
    %broadcast_in_dim3A_735 = vector.shape_cast %reduce_sum3A_734 : vector<256xf32> to vector<256x1xf32>
    %le3A_736 = arith.constant 1.000000e+00 : f32
    %le3A_737 = vector.broadcast %le3A_736 : f32 to vector<256x1024xf32>
    %le3A_738 = arith.cmpf ole, %add3A_725, %le3A_737 : vector<256x1024xf32>
    %convert_element_type3A_739 = arith.extui %le3A_738 : vector<256x1024xi1> to vector<256x1024xi32>
    %convert_element_type3A_740 = arith.sitofp %convert_element_type3A_739 : vector<256x1024xi32> to vector<256x1024xf32>
    %reduce_sum3A_741 = arith.constant dense<0.000000e+00> : vector<256xf32>
    %reduce_sum3A_742 = vector.multi_reduction <add>, %convert_element_type3A_740, %reduce_sum3A_741 [1] : vector<256x1024xf32> to vector<256xf32>
    %broadcast_in_dim3A_743 = vector.shape_cast %reduce_sum3A_742 : vector<256xf32> to vector<256x1xf32>
    %le3A_744 = arith.constant 2.000000e+00 : f32
    %le3A_745 = vector.broadcast %le3A_744 : f32 to vector<256x1024xf32>
    %le3A_746 = arith.cmpf ole, %add3A_725, %le3A_745 : vector<256x1024xf32>
    %convert_element_type3A_747 = arith.extui %le3A_746 : vector<256x1024xi1> to vector<256x1024xi32>
    %convert_element_type3A_748 = arith.sitofp %convert_element_type3A_747 : vector<256x1024xi32> to vector<256x1024xf32>
    %reduce_sum3A_749 = arith.constant dense<0.000000e+00> : vector<256xf32>
    %reduce_sum3A_750 = vector.multi_reduction <add>, %convert_element_type3A_748, %reduce_sum3A_749 [1] : vector<256x1024xf32> to vector<256xf32>
    %broadcast_in_dim3A_751 = vector.shape_cast %reduce_sum3A_750 : vector<256xf32> to vector<256x1xf32>
    %le3A_752 = arith.constant 3.000000e+00 : f32
    %le3A_753 = vector.broadcast %le3A_752 : f32 to vector<256x1024xf32>
    %le3A_754 = arith.cmpf ole, %add3A_725, %le3A_753 : vector<256x1024xf32>
    %convert_element_type3A_755 = arith.extui %le3A_754 : vector<256x1024xi1> to vector<256x1024xi32>
    %convert_element_type3A_756 = arith.sitofp %convert_element_type3A_755 : vector<256x1024xi32> to vector<256x1024xf32>
    %reduce_sum3A_757 = arith.constant dense<0.000000e+00> : vector<256xf32>
    %reduce_sum3A_758 = vector.multi_reduction <add>, %convert_element_type3A_756, %reduce_sum3A_757 [1] : vector<256x1024xf32> to vector<256xf32>
    %broadcast_in_dim3A_759 = vector.shape_cast %reduce_sum3A_758 : vector<256xf32> to vector<256x1xf32>
    %le3A_760 = arith.constant 4.000000e+00 : f32
    %le3A_761 = vector.broadcast %le3A_760 : f32 to vector<256x1024xf32>
    %le3A_762 = arith.cmpf ole, %add3A_725, %le3A_761 : vector<256x1024xf32>
    %convert_element_type3A_763 = arith.extui %le3A_762 : vector<256x1024xi1> to vector<256x1024xi32>
    %convert_element_type3A_764 = arith.sitofp %convert_element_type3A_763 : vector<256x1024xi32> to vector<256x1024xf32>
    %reduce_sum3A_765 = arith.constant dense<0.000000e+00> : vector<256xf32>
    %reduce_sum3A_766 = vector.multi_reduction <add>, %convert_element_type3A_764, %reduce_sum3A_765 [1] : vector<256x1024xf32> to vector<256xf32>
    %broadcast_in_dim3A_767 = vector.shape_cast %reduce_sum3A_766 : vector<256xf32> to vector<256x1xf32>
    %le3A_768 = arith.constant 5.000000e+00 : f32
    %le3A_769 = vector.broadcast %le3A_768 : f32 to vector<256x1024xf32>
    %le3A_770 = arith.cmpf ole, %add3A_725, %le3A_769 : vector<256x1024xf32>
    %convert_element_type3A_771 = arith.extui %le3A_770 : vector<256x1024xi1> to vector<256x1024xi32>
    %convert_element_type3A_772 = arith.sitofp %convert_element_type3A_771 : vector<256x1024xi32> to vector<256x1024xf32>
    %reduce_sum3A_773 = arith.constant dense<0.000000e+00> : vector<256xf32>
    %reduce_sum3A_774 = vector.multi_reduction <add>, %convert_element_type3A_772, %reduce_sum3A_773 [1] : vector<256x1024xf32> to vector<256xf32>
    %broadcast_in_dim3A_775 = vector.shape_cast %reduce_sum3A_774 : vector<256xf32> to vector<256x1xf32>
    %le3A_776 = arith.constant 6.000000e+00 : f32
    %le3A_777 = vector.broadcast %le3A_776 : f32 to vector<256x1024xf32>
    %le3A_778 = arith.cmpf ole, %add3A_725, %le3A_777 : vector<256x1024xf32>
    %convert_element_type3A_779 = arith.extui %le3A_778 : vector<256x1024xi1> to vector<256x1024xi32>
    %convert_element_type3A_780 = arith.sitofp %convert_element_type3A_779 : vector<256x1024xi32> to vector<256x1024xf32>
    %reduce_sum3A_781 = arith.constant dense<0.000000e+00> : vector<256xf32>
    %reduce_sum3A_782 = vector.multi_reduction <add>, %convert_element_type3A_780, %reduce_sum3A_781 [1] : vector<256x1024xf32> to vector<256xf32>
    %broadcast_in_dim3A_783 = vector.shape_cast %reduce_sum3A_782 : vector<256xf32> to vector<256x1xf32>
    %le3A_784 = arith.constant 7.000000e+00 : f32
    %le3A_785 = vector.broadcast %le3A_784 : f32 to vector<256x1024xf32>
    %le3A_786 = arith.cmpf ole, %add3A_725, %le3A_785 : vector<256x1024xf32>
    %convert_element_type3A_787 = arith.extui %le3A_786 : vector<256x1024xi1> to vector<256x1024xi32>
    %convert_element_type3A_788 = arith.sitofp %convert_element_type3A_787 : vector<256x1024xi32> to vector<256x1024xf32>
    %reduce_sum3A_789 = arith.constant dense<0.000000e+00> : vector<256xf32>
    %reduce_sum3A_790 = vector.multi_reduction <add>, %convert_element_type3A_788, %reduce_sum3A_789 [1] : vector<256x1024xf32> to vector<256xf32>
    %broadcast_in_dim3A_791 = vector.shape_cast %reduce_sum3A_790 : vector<256xf32> to vector<256x1xf32>
    %le3A_792 = arith.constant 8.000000e+00 : f32
    %le3A_793 = vector.broadcast %le3A_792 : f32 to vector<256x1024xf32>
    %le3A_794 = arith.cmpf ole, %add3A_725, %le3A_793 : vector<256x1024xf32>
    %convert_element_type3A_795 = arith.extui %le3A_794 : vector<256x1024xi1> to vector<256x1024xi32>
    %convert_element_type3A_796 = arith.sitofp %convert_element_type3A_795 : vector<256x1024xi32> to vector<256x1024xf32>
    %reduce_sum3A_797 = arith.constant dense<0.000000e+00> : vector<256xf32>
    %reduce_sum3A_798 = vector.multi_reduction <add>, %convert_element_type3A_796, %reduce_sum3A_797 [1] : vector<256x1024xf32> to vector<256xf32>
    %broadcast_in_dim3A_799 = vector.shape_cast %reduce_sum3A_798 : vector<256xf32> to vector<256x1xf32>
    %le3A_800 = arith.constant 9.000000e+00 : f32
    %le3A_801 = vector.broadcast %le3A_800 : f32 to vector<256x1024xf32>
    %le3A_802 = arith.cmpf ole, %add3A_725, %le3A_801 : vector<256x1024xf32>
    %convert_element_type3A_803 = arith.extui %le3A_802 : vector<256x1024xi1> to vector<256x1024xi32>
    %convert_element_type3A_804 = arith.sitofp %convert_element_type3A_803 : vector<256x1024xi32> to vector<256x1024xf32>
    %reduce_sum3A_805 = arith.constant dense<0.000000e+00> : vector<256xf32>
    %reduce_sum3A_806 = vector.multi_reduction <add>, %convert_element_type3A_804, %reduce_sum3A_805 [1] : vector<256x1024xf32> to vector<256xf32>
    %broadcast_in_dim3A_807 = vector.shape_cast %reduce_sum3A_806 : vector<256xf32> to vector<256x1xf32>
    %le3A_808 = arith.constant 1.000000e+01 : f32
    %le3A_809 = vector.broadcast %le3A_808 : f32 to vector<256x1024xf32>
    %le3A_810 = arith.cmpf ole, %add3A_725, %le3A_809 : vector<256x1024xf32>
    %convert_element_type3A_811 = arith.extui %le3A_810 : vector<256x1024xi1> to vector<256x1024xi32>
    %convert_element_type3A_812 = arith.sitofp %convert_element_type3A_811 : vector<256x1024xi32> to vector<256x1024xf32>
    %reduce_sum3A_813 = arith.constant dense<0.000000e+00> : vector<256xf32>
    %reduce_sum3A_814 = vector.multi_reduction <add>, %convert_element_type3A_812, %reduce_sum3A_813 [1] : vector<256x1024xf32> to vector<256xf32>
    %broadcast_in_dim3A_815 = vector.shape_cast %reduce_sum3A_814 : vector<256xf32> to vector<256x1xf32>
    %le3A_816 = arith.constant 1.100000e+01 : f32
    %le3A_817 = vector.broadcast %le3A_816 : f32 to vector<256x1024xf32>
    %le3A_818 = arith.cmpf ole, %add3A_725, %le3A_817 : vector<256x1024xf32>
    %convert_element_type3A_819 = arith.extui %le3A_818 : vector<256x1024xi1> to vector<256x1024xi32>
    %convert_element_type3A_820 = arith.sitofp %convert_element_type3A_819 : vector<256x1024xi32> to vector<256x1024xf32>
    %reduce_sum3A_821 = arith.constant dense<0.000000e+00> : vector<256xf32>
    %reduce_sum3A_822 = vector.multi_reduction <add>, %convert_element_type3A_820, %reduce_sum3A_821 [1] : vector<256x1024xf32> to vector<256xf32>
    %broadcast_in_dim3A_823 = vector.shape_cast %reduce_sum3A_822 : vector<256xf32> to vector<256x1xf32>
    %le3A_824 = arith.constant 1.200000e+01 : f32
    %le3A_825 = vector.broadcast %le3A_824 : f32 to vector<256x1024xf32>
    %le3A_826 = arith.cmpf ole, %add3A_725, %le3A_825 : vector<256x1024xf32>
    %convert_element_type3A_827 = arith.extui %le3A_826 : vector<256x1024xi1> to vector<256x1024xi32>
    %convert_element_type3A_828 = arith.sitofp %convert_element_type3A_827 : vector<256x1024xi32> to vector<256x1024xf32>
    %reduce_sum3A_829 = arith.constant dense<0.000000e+00> : vector<256xf32>
    %reduce_sum3A_830 = vector.multi_reduction <add>, %convert_element_type3A_828, %reduce_sum3A_829 [1] : vector<256x1024xf32> to vector<256xf32>
    %broadcast_in_dim3A_831 = vector.shape_cast %reduce_sum3A_830 : vector<256xf32> to vector<256x1xf32>
    %le3A_832 = arith.constant 1.300000e+01 : f32
    %le3A_833 = vector.broadcast %le3A_832 : f32 to vector<256x1024xf32>
    %le3A_834 = arith.cmpf ole, %add3A_725, %le3A_833 : vector<256x1024xf32>
    %convert_element_type3A_835 = arith.extui %le3A_834 : vector<256x1024xi1> to vector<256x1024xi32>
    %convert_element_type3A_836 = arith.sitofp %convert_element_type3A_835 : vector<256x1024xi32> to vector<256x1024xf32>
    %reduce_sum3A_837 = arith.constant dense<0.000000e+00> : vector<256xf32>
    %reduce_sum3A_838 = vector.multi_reduction <add>, %convert_element_type3A_836, %reduce_sum3A_837 [1] : vector<256x1024xf32> to vector<256xf32>
    %broadcast_in_dim3A_839 = vector.shape_cast %reduce_sum3A_838 : vector<256xf32> to vector<256x1xf32>
    %le3A_840 = arith.constant 1.400000e+01 : f32
    %le3A_841 = vector.broadcast %le3A_840 : f32 to vector<256x1024xf32>
    %le3A_842 = arith.cmpf ole, %add3A_725, %le3A_841 : vector<256x1024xf32>
    %convert_element_type3A_843 = arith.extui %le3A_842 : vector<256x1024xi1> to vector<256x1024xi32>
    %convert_element_type3A_844 = arith.sitofp %convert_element_type3A_843 : vector<256x1024xi32> to vector<256x1024xf32>
    %reduce_sum3A_845 = arith.constant dense<0.000000e+00> : vector<256xf32>
    %reduce_sum3A_846 = vector.multi_reduction <add>, %convert_element_type3A_844, %reduce_sum3A_845 [1] : vector<256x1024xf32> to vector<256xf32>
    %broadcast_in_dim3A_847 = vector.shape_cast %reduce_sum3A_846 : vector<256xf32> to vector<256x1xf32>
    %le3A_848 = arith.constant 1.500000e+01 : f32
    %le3A_849 = vector.broadcast %le3A_848 : f32 to vector<256x1024xf32>
    %le3A_850 = arith.cmpf ole, %add3A_725, %le3A_849 : vector<256x1024xf32>
    %convert_element_type3A_851 = arith.extui %le3A_850 : vector<256x1024xi1> to vector<256x1024xi32>
    %convert_element_type3A_852 = arith.sitofp %convert_element_type3A_851 : vector<256x1024xi32> to vector<256x1024xf32>
    %reduce_sum3A_853 = arith.constant dense<0.000000e+00> : vector<256xf32>
    %reduce_sum3A_854 = vector.multi_reduction <add>, %convert_element_type3A_852, %reduce_sum3A_853 [1] : vector<256x1024xf32> to vector<256xf32>
    %broadcast_in_dim3A_855 = vector.shape_cast %reduce_sum3A_854 : vector<256xf32> to vector<256x1xf32>
    %concatenate3A_856 = tpu.concatenate %broadcast_in_dim3A_735, %broadcast_in_dim3A_743, %broadcast_in_dim3A_751, %broadcast_in_dim3A_759, %broadcast_in_dim3A_767, %broadcast_in_dim3A_775, %broadcast_in_dim3A_783, %broadcast_in_dim3A_791, %broadcast_in_dim3A_799, %broadcast_in_dim3A_807, %broadcast_in_dim3A_815, %broadcast_in_dim3A_823, %broadcast_in_dim3A_831, %broadcast_in_dim3A_839, %broadcast_in_dim3A_847, %broadcast_in_dim3A_855 in 1 : vector<256x1xf32>, vector<256x1xf32>, vector<256x1xf32>, vector<256x1xf32>, vector<256x1xf32>, vector<256x1xf32>, vector<256x1xf32>, vector<256x1xf32>, vector<256x1xf32>, vector<256x1xf32>, vector<256x1xf32>, vector<256x1xf32>, vector<256x1xf32>, vector<256x1xf32>, vector<256x1xf32>, vector<256x1xf32> -> vector<256x16xf32>
    %add3A_857 = arith.addf %add3A_686, %concatenate3A_856 : vector<256x16xf32>
    %get3A_858 = arith.constant 0 : index
    %get3A_859 = arith.constant 0 : index
    %get3A_860 = arith.constant 5120 : index
    %get3A_861 = vector.load %arg3[%get3A_858, %get3A_859, %get3A_860] : memref<1x3x8192xf32, #tpu.memory_space<vmem>>, vector<1x1x1024xf32>
    %get3A_862 = vector.shape_cast %get3A_861 : vector<1x1x1024xf32> to vector<1x1024xf32>
    %get3A_863 = arith.constant 0 : index
    %get3A_864 = arith.constant 1 : index
    %get3A_865 = arith.constant 5120 : index
    %get3A_866 = vector.load %arg3[%get3A_863, %get3A_864, %get3A_865] : memref<1x3x8192xf32, #tpu.memory_space<vmem>>, vector<1x1x1024xf32>
    %get3A_867 = vector.shape_cast %get3A_866 : vector<1x1x1024xf32> to vector<1x1024xf32>
    %get3A_868 = arith.constant 0 : index
    %get3A_869 = arith.constant 2 : index
    %get3A_870 = arith.constant 5120 : index
    %get3A_871 = vector.load %arg3[%get3A_868, %get3A_869, %get3A_870] : memref<1x3x8192xf32, #tpu.memory_space<vmem>>, vector<1x1x1024xf32>
    %get3A_872 = vector.shape_cast %get3A_871 : vector<1x1x1024xf32> to vector<1x1024xf32>
    %sub3A_873 = vector.broadcast %slice3A : vector<256x1xf32> to vector<256x1024xf32>
    %sub3A_874 = vector.broadcast %get3A_862 : vector<1x1024xf32> to vector<256x1024xf32>
    %sub3A_875 = arith.subf %sub3A_873, %sub3A_874 : vector<256x1024xf32>
    %sub3A_876 = vector.broadcast %slice3A_4 : vector<256x1xf32> to vector<256x1024xf32>
    %sub3A_877 = vector.broadcast %get3A_867 : vector<1x1024xf32> to vector<256x1024xf32>
    %sub3A_878 = arith.subf %sub3A_876, %sub3A_877 : vector<256x1024xf32>
    %sub3A_879 = vector.broadcast %slice3A_5 : vector<256x1xf32> to vector<256x1024xf32>
    %sub3A_880 = vector.broadcast %get3A_872 : vector<1x1024xf32> to vector<256x1024xf32>
    %sub3A_881 = arith.subf %sub3A_879, %sub3A_880 : vector<256x1024xf32>
    %mul3A_882 = arith.mulf %sub3A_875, %sub3A_875 : vector<256x1024xf32>
    %mul3A_883 = arith.mulf %sub3A_878, %sub3A_878 : vector<256x1024xf32>
    %add3A_884 = arith.addf %mul3A_882, %mul3A_883 : vector<256x1024xf32>
    %mul3A_885 = arith.mulf %sub3A_881, %sub3A_881 : vector<256x1024xf32>
    %add3A_886 = arith.addf %add3A_884, %mul3A_885 : vector<256x1024xf32>
    %lt3A_887 = arith.constant 0.00999999977 : f32
    %lt3A_888 = vector.broadcast %lt3A_887 : f32 to vector<256x1024xf32>
    %lt3A_889 = arith.cmpf olt, %add3A_886, %lt3A_888 : vector<256x1024xf32>
    %convert_element_type3A_890 = arith.extui %lt3A_889 : vector<256x1024xi1> to vector<256x1024xi32>
    %convert_element_type3A_891 = arith.sitofp %convert_element_type3A_890 : vector<256x1024xi32> to vector<256x1024xf32>
    %convert_element_type3A_892 = arith.truncf %convert_element_type3A_891 : vector<256x1024xf32> to vector<256x1024xbf16>
    %dot_general3A_893 = arith.constant dense<0.000000e+00> : vector<256x1024xf32>
    %dot_general3A_894 = tpu.matmul %convert_element_type3A_892, %get3A_8, %dot_general3A_893 {dimension_numbers = #tpu.dot_dimension_numbers<[1], [0], [0], [1], [0, 0, 1, 1], [], []>, transpose_lhs_hint = false} : vector<256x1024xbf16>, vector<1024x1024xbf16>, vector<256x1024xf32> -> vector<256x1024xf32>
    %add3A_895 = vector.broadcast %add3A_727 : vector<256x1xf32> to vector<256x1024xf32>
    %add3A_896 = arith.addf %dot_general3A_894, %add3A_895 : vector<256x1024xf32>
    %slice3A_897 = vector.extract_strided_slice %dot_general3A_894 {offsets = [0, 1023], sizes = [256, 1], strides = [1, 1]} : vector<256x1024xf32> to vector<256x1xf32>
    %add3A_898 = arith.addf %add3A_727, %slice3A_897 : vector<256x1xf32>
    %le3A_899 = arith.constant 0.000000e+00 : f32
    %le3A_900 = vector.broadcast %le3A_899 : f32 to vector<256x1024xf32>
    %le3A_901 = arith.cmpf ole, %add3A_896, %le3A_900 : vector<256x1024xf32>
    %convert_element_type3A_902 = arith.extui %le3A_901 : vector<256x1024xi1> to vector<256x1024xi32>
    %convert_element_type3A_903 = arith.sitofp %convert_element_type3A_902 : vector<256x1024xi32> to vector<256x1024xf32>
    %reduce_sum3A_904 = arith.constant dense<0.000000e+00> : vector<256xf32>
    %reduce_sum3A_905 = vector.multi_reduction <add>, %convert_element_type3A_903, %reduce_sum3A_904 [1] : vector<256x1024xf32> to vector<256xf32>
    %broadcast_in_dim3A_906 = vector.shape_cast %reduce_sum3A_905 : vector<256xf32> to vector<256x1xf32>
    %le3A_907 = arith.constant 1.000000e+00 : f32
    %le3A_908 = vector.broadcast %le3A_907 : f32 to vector<256x1024xf32>
    %le3A_909 = arith.cmpf ole, %add3A_896, %le3A_908 : vector<256x1024xf32>
    %convert_element_type3A_910 = arith.extui %le3A_909 : vector<256x1024xi1> to vector<256x1024xi32>
    %convert_element_type3A_911 = arith.sitofp %convert_element_type3A_910 : vector<256x1024xi32> to vector<256x1024xf32>
    %reduce_sum3A_912 = arith.constant dense<0.000000e+00> : vector<256xf32>
    %reduce_sum3A_913 = vector.multi_reduction <add>, %convert_element_type3A_911, %reduce_sum3A_912 [1] : vector<256x1024xf32> to vector<256xf32>
    %broadcast_in_dim3A_914 = vector.shape_cast %reduce_sum3A_913 : vector<256xf32> to vector<256x1xf32>
    %le3A_915 = arith.constant 2.000000e+00 : f32
    %le3A_916 = vector.broadcast %le3A_915 : f32 to vector<256x1024xf32>
    %le3A_917 = arith.cmpf ole, %add3A_896, %le3A_916 : vector<256x1024xf32>
    %convert_element_type3A_918 = arith.extui %le3A_917 : vector<256x1024xi1> to vector<256x1024xi32>
    %convert_element_type3A_919 = arith.sitofp %convert_element_type3A_918 : vector<256x1024xi32> to vector<256x1024xf32>
    %reduce_sum3A_920 = arith.constant dense<0.000000e+00> : vector<256xf32>
    %reduce_sum3A_921 = vector.multi_reduction <add>, %convert_element_type3A_919, %reduce_sum3A_920 [1] : vector<256x1024xf32> to vector<256xf32>
    %broadcast_in_dim3A_922 = vector.shape_cast %reduce_sum3A_921 : vector<256xf32> to vector<256x1xf32>
    %le3A_923 = arith.constant 3.000000e+00 : f32
    %le3A_924 = vector.broadcast %le3A_923 : f32 to vector<256x1024xf32>
    %le3A_925 = arith.cmpf ole, %add3A_896, %le3A_924 : vector<256x1024xf32>
    %convert_element_type3A_926 = arith.extui %le3A_925 : vector<256x1024xi1> to vector<256x1024xi32>
    %convert_element_type3A_927 = arith.sitofp %convert_element_type3A_926 : vector<256x1024xi32> to vector<256x1024xf32>
    %reduce_sum3A_928 = arith.constant dense<0.000000e+00> : vector<256xf32>
    %reduce_sum3A_929 = vector.multi_reduction <add>, %convert_element_type3A_927, %reduce_sum3A_928 [1] : vector<256x1024xf32> to vector<256xf32>
    %broadcast_in_dim3A_930 = vector.shape_cast %reduce_sum3A_929 : vector<256xf32> to vector<256x1xf32>
    %le3A_931 = arith.constant 4.000000e+00 : f32
    %le3A_932 = vector.broadcast %le3A_931 : f32 to vector<256x1024xf32>
    %le3A_933 = arith.cmpf ole, %add3A_896, %le3A_932 : vector<256x1024xf32>
    %convert_element_type3A_934 = arith.extui %le3A_933 : vector<256x1024xi1> to vector<256x1024xi32>
    %convert_element_type3A_935 = arith.sitofp %convert_element_type3A_934 : vector<256x1024xi32> to vector<256x1024xf32>
    %reduce_sum3A_936 = arith.constant dense<0.000000e+00> : vector<256xf32>
    %reduce_sum3A_937 = vector.multi_reduction <add>, %convert_element_type3A_935, %reduce_sum3A_936 [1] : vector<256x1024xf32> to vector<256xf32>
    %broadcast_in_dim3A_938 = vector.shape_cast %reduce_sum3A_937 : vector<256xf32> to vector<256x1xf32>
    %le3A_939 = arith.constant 5.000000e+00 : f32
    %le3A_940 = vector.broadcast %le3A_939 : f32 to vector<256x1024xf32>
    %le3A_941 = arith.cmpf ole, %add3A_896, %le3A_940 : vector<256x1024xf32>
    %convert_element_type3A_942 = arith.extui %le3A_941 : vector<256x1024xi1> to vector<256x1024xi32>
    %convert_element_type3A_943 = arith.sitofp %convert_element_type3A_942 : vector<256x1024xi32> to vector<256x1024xf32>
    %reduce_sum3A_944 = arith.constant dense<0.000000e+00> : vector<256xf32>
    %reduce_sum3A_945 = vector.multi_reduction <add>, %convert_element_type3A_943, %reduce_sum3A_944 [1] : vector<256x1024xf32> to vector<256xf32>
    %broadcast_in_dim3A_946 = vector.shape_cast %reduce_sum3A_945 : vector<256xf32> to vector<256x1xf32>
    %le3A_947 = arith.constant 6.000000e+00 : f32
    %le3A_948 = vector.broadcast %le3A_947 : f32 to vector<256x1024xf32>
    %le3A_949 = arith.cmpf ole, %add3A_896, %le3A_948 : vector<256x1024xf32>
    %convert_element_type3A_950 = arith.extui %le3A_949 : vector<256x1024xi1> to vector<256x1024xi32>
    %convert_element_type3A_951 = arith.sitofp %convert_element_type3A_950 : vector<256x1024xi32> to vector<256x1024xf32>
    %reduce_sum3A_952 = arith.constant dense<0.000000e+00> : vector<256xf32>
    %reduce_sum3A_953 = vector.multi_reduction <add>, %convert_element_type3A_951, %reduce_sum3A_952 [1] : vector<256x1024xf32> to vector<256xf32>
    %broadcast_in_dim3A_954 = vector.shape_cast %reduce_sum3A_953 : vector<256xf32> to vector<256x1xf32>
    %le3A_955 = arith.constant 7.000000e+00 : f32
    %le3A_956 = vector.broadcast %le3A_955 : f32 to vector<256x1024xf32>
    %le3A_957 = arith.cmpf ole, %add3A_896, %le3A_956 : vector<256x1024xf32>
    %convert_element_type3A_958 = arith.extui %le3A_957 : vector<256x1024xi1> to vector<256x1024xi32>
    %convert_element_type3A_959 = arith.sitofp %convert_element_type3A_958 : vector<256x1024xi32> to vector<256x1024xf32>
    %reduce_sum3A_960 = arith.constant dense<0.000000e+00> : vector<256xf32>
    %reduce_sum3A_961 = vector.multi_reduction <add>, %convert_element_type3A_959, %reduce_sum3A_960 [1] : vector<256x1024xf32> to vector<256xf32>
    %broadcast_in_dim3A_962 = vector.shape_cast %reduce_sum3A_961 : vector<256xf32> to vector<256x1xf32>
    %le3A_963 = arith.constant 8.000000e+00 : f32
    %le3A_964 = vector.broadcast %le3A_963 : f32 to vector<256x1024xf32>
    %le3A_965 = arith.cmpf ole, %add3A_896, %le3A_964 : vector<256x1024xf32>
    %convert_element_type3A_966 = arith.extui %le3A_965 : vector<256x1024xi1> to vector<256x1024xi32>
    %convert_element_type3A_967 = arith.sitofp %convert_element_type3A_966 : vector<256x1024xi32> to vector<256x1024xf32>
    %reduce_sum3A_968 = arith.constant dense<0.000000e+00> : vector<256xf32>
    %reduce_sum3A_969 = vector.multi_reduction <add>, %convert_element_type3A_967, %reduce_sum3A_968 [1] : vector<256x1024xf32> to vector<256xf32>
    %broadcast_in_dim3A_970 = vector.shape_cast %reduce_sum3A_969 : vector<256xf32> to vector<256x1xf32>
    %le3A_971 = arith.constant 9.000000e+00 : f32
    %le3A_972 = vector.broadcast %le3A_971 : f32 to vector<256x1024xf32>
    %le3A_973 = arith.cmpf ole, %add3A_896, %le3A_972 : vector<256x1024xf32>
    %convert_element_type3A_974 = arith.extui %le3A_973 : vector<256x1024xi1> to vector<256x1024xi32>
    %convert_element_type3A_975 = arith.sitofp %convert_element_type3A_974 : vector<256x1024xi32> to vector<256x1024xf32>
    %reduce_sum3A_976 = arith.constant dense<0.000000e+00> : vector<256xf32>
    %reduce_sum3A_977 = vector.multi_reduction <add>, %convert_element_type3A_975, %reduce_sum3A_976 [1] : vector<256x1024xf32> to vector<256xf32>
    %broadcast_in_dim3A_978 = vector.shape_cast %reduce_sum3A_977 : vector<256xf32> to vector<256x1xf32>
    %le3A_979 = arith.constant 1.000000e+01 : f32
    %le3A_980 = vector.broadcast %le3A_979 : f32 to vector<256x1024xf32>
    %le3A_981 = arith.cmpf ole, %add3A_896, %le3A_980 : vector<256x1024xf32>
    %convert_element_type3A_982 = arith.extui %le3A_981 : vector<256x1024xi1> to vector<256x1024xi32>
    %convert_element_type3A_983 = arith.sitofp %convert_element_type3A_982 : vector<256x1024xi32> to vector<256x1024xf32>
    %reduce_sum3A_984 = arith.constant dense<0.000000e+00> : vector<256xf32>
    %reduce_sum3A_985 = vector.multi_reduction <add>, %convert_element_type3A_983, %reduce_sum3A_984 [1] : vector<256x1024xf32> to vector<256xf32>
    %broadcast_in_dim3A_986 = vector.shape_cast %reduce_sum3A_985 : vector<256xf32> to vector<256x1xf32>
    %le3A_987 = arith.constant 1.100000e+01 : f32
    %le3A_988 = vector.broadcast %le3A_987 : f32 to vector<256x1024xf32>
    %le3A_989 = arith.cmpf ole, %add3A_896, %le3A_988 : vector<256x1024xf32>
    %convert_element_type3A_990 = arith.extui %le3A_989 : vector<256x1024xi1> to vector<256x1024xi32>
    %convert_element_type3A_991 = arith.sitofp %convert_element_type3A_990 : vector<256x1024xi32> to vector<256x1024xf32>
    %reduce_sum3A_992 = arith.constant dense<0.000000e+00> : vector<256xf32>
    %reduce_sum3A_993 = vector.multi_reduction <add>, %convert_element_type3A_991, %reduce_sum3A_992 [1] : vector<256x1024xf32> to vector<256xf32>
    %broadcast_in_dim3A_994 = vector.shape_cast %reduce_sum3A_993 : vector<256xf32> to vector<256x1xf32>
    %le3A_995 = arith.constant 1.200000e+01 : f32
    %le3A_996 = vector.broadcast %le3A_995 : f32 to vector<256x1024xf32>
    %le3A_997 = arith.cmpf ole, %add3A_896, %le3A_996 : vector<256x1024xf32>
    %convert_element_type3A_998 = arith.extui %le3A_997 : vector<256x1024xi1> to vector<256x1024xi32>
    %convert_element_type3A_999 = arith.sitofp %convert_element_type3A_998 : vector<256x1024xi32> to vector<256x1024xf32>
    %reduce_sum3A_1000 = arith.constant dense<0.000000e+00> : vector<256xf32>
    %reduce_sum3A_1001 = vector.multi_reduction <add>, %convert_element_type3A_999, %reduce_sum3A_1000 [1] : vector<256x1024xf32> to vector<256xf32>
    %broadcast_in_dim3A_1002 = vector.shape_cast %reduce_sum3A_1001 : vector<256xf32> to vector<256x1xf32>
    %le3A_1003 = arith.constant 1.300000e+01 : f32
    %le3A_1004 = vector.broadcast %le3A_1003 : f32 to vector<256x1024xf32>
    %le3A_1005 = arith.cmpf ole, %add3A_896, %le3A_1004 : vector<256x1024xf32>
    %convert_element_type3A_1006 = arith.extui %le3A_1005 : vector<256x1024xi1> to vector<256x1024xi32>
    %convert_element_type3A_1007 = arith.sitofp %convert_element_type3A_1006 : vector<256x1024xi32> to vector<256x1024xf32>
    %reduce_sum3A_1008 = arith.constant dense<0.000000e+00> : vector<256xf32>
    %reduce_sum3A_1009 = vector.multi_reduction <add>, %convert_element_type3A_1007, %reduce_sum3A_1008 [1] : vector<256x1024xf32> to vector<256xf32>
    %broadcast_in_dim3A_1010 = vector.shape_cast %reduce_sum3A_1009 : vector<256xf32> to vector<256x1xf32>
    %le3A_1011 = arith.constant 1.400000e+01 : f32
    %le3A_1012 = vector.broadcast %le3A_1011 : f32 to vector<256x1024xf32>
    %le3A_1013 = arith.cmpf ole, %add3A_896, %le3A_1012 : vector<256x1024xf32>
    %convert_element_type3A_1014 = arith.extui %le3A_1013 : vector<256x1024xi1> to vector<256x1024xi32>
    %convert_element_type3A_1015 = arith.sitofp %convert_element_type3A_1014 : vector<256x1024xi32> to vector<256x1024xf32>
    %reduce_sum3A_1016 = arith.constant dense<0.000000e+00> : vector<256xf32>
    %reduce_sum3A_1017 = vector.multi_reduction <add>, %convert_element_type3A_1015, %reduce_sum3A_1016 [1] : vector<256x1024xf32> to vector<256xf32>
    %broadcast_in_dim3A_1018 = vector.shape_cast %reduce_sum3A_1017 : vector<256xf32> to vector<256x1xf32>
    %le3A_1019 = arith.constant 1.500000e+01 : f32
    %le3A_1020 = vector.broadcast %le3A_1019 : f32 to vector<256x1024xf32>
    %le3A_1021 = arith.cmpf ole, %add3A_896, %le3A_1020 : vector<256x1024xf32>
    %convert_element_type3A_1022 = arith.extui %le3A_1021 : vector<256x1024xi1> to vector<256x1024xi32>
    %convert_element_type3A_1023 = arith.sitofp %convert_element_type3A_1022 : vector<256x1024xi32> to vector<256x1024xf32>
    %reduce_sum3A_1024 = arith.constant dense<0.000000e+00> : vector<256xf32>
    %reduce_sum3A_1025 = vector.multi_reduction <add>, %convert_element_type3A_1023, %reduce_sum3A_1024 [1] : vector<256x1024xf32> to vector<256xf32>
    %broadcast_in_dim3A_1026 = vector.shape_cast %reduce_sum3A_1025 : vector<256xf32> to vector<256x1xf32>
    %concatenate3A_1027 = tpu.concatenate %broadcast_in_dim3A_906, %broadcast_in_dim3A_914, %broadcast_in_dim3A_922, %broadcast_in_dim3A_930, %broadcast_in_dim3A_938, %broadcast_in_dim3A_946, %broadcast_in_dim3A_954, %broadcast_in_dim3A_962, %broadcast_in_dim3A_970, %broadcast_in_dim3A_978, %broadcast_in_dim3A_986, %broadcast_in_dim3A_994, %broadcast_in_dim3A_1002, %broadcast_in_dim3A_1010, %broadcast_in_dim3A_1018, %broadcast_in_dim3A_1026 in 1 : vector<256x1xf32>, vector<256x1xf32>, vector<256x1xf32>, vector<256x1xf32>, vector<256x1xf32>, vector<256x1xf32>, vector<256x1xf32>, vector<256x1xf32>, vector<256x1xf32>, vector<256x1xf32>, vector<256x1xf32>, vector<256x1xf32>, vector<256x1xf32>, vector<256x1xf32>, vector<256x1xf32>, vector<256x1xf32> -> vector<256x16xf32>
    %add3A_1028 = arith.addf %add3A_857, %concatenate3A_1027 : vector<256x16xf32>
    %get3A_1029 = arith.constant 0 : index
    %get3A_1030 = arith.constant 0 : index
    %get3A_1031 = arith.constant 6144 : index
    %get3A_1032 = vector.load %arg3[%get3A_1029, %get3A_1030, %get3A_1031] : memref<1x3x8192xf32, #tpu.memory_space<vmem>>, vector<1x1x1024xf32>
    %get3A_1033 = vector.shape_cast %get3A_1032 : vector<1x1x1024xf32> to vector<1x1024xf32>
    %get3A_1034 = arith.constant 0 : index
    %get3A_1035 = arith.constant 1 : index
    %get3A_1036 = arith.constant 6144 : index
    %get3A_1037 = vector.load %arg3[%get3A_1034, %get3A_1035, %get3A_1036] : memref<1x3x8192xf32, #tpu.memory_space<vmem>>, vector<1x1x1024xf32>
    %get3A_1038 = vector.shape_cast %get3A_1037 : vector<1x1x1024xf32> to vector<1x1024xf32>
    %get3A_1039 = arith.constant 0 : index
    %get3A_1040 = arith.constant 2 : index
    %get3A_1041 = arith.constant 6144 : index
    %get3A_1042 = vector.load %arg3[%get3A_1039, %get3A_1040, %get3A_1041] : memref<1x3x8192xf32, #tpu.memory_space<vmem>>, vector<1x1x1024xf32>
    %get3A_1043 = vector.shape_cast %get3A_1042 : vector<1x1x1024xf32> to vector<1x1024xf32>
    %sub3A_1044 = vector.broadcast %slice3A : vector<256x1xf32> to vector<256x1024xf32>
    %sub3A_1045 = vector.broadcast %get3A_1033 : vector<1x1024xf32> to vector<256x1024xf32>
    %sub3A_1046 = arith.subf %sub3A_1044, %sub3A_1045 : vector<256x1024xf32>
    %sub3A_1047 = vector.broadcast %slice3A_4 : vector<256x1xf32> to vector<256x1024xf32>
    %sub3A_1048 = vector.broadcast %get3A_1038 : vector<1x1024xf32> to vector<256x1024xf32>
    %sub3A_1049 = arith.subf %sub3A_1047, %sub3A_1048 : vector<256x1024xf32>
    %sub3A_1050 = vector.broadcast %slice3A_5 : vector<256x1xf32> to vector<256x1024xf32>
    %sub3A_1051 = vector.broadcast %get3A_1043 : vector<1x1024xf32> to vector<256x1024xf32>
    %sub3A_1052 = arith.subf %sub3A_1050, %sub3A_1051 : vector<256x1024xf32>
    %mul3A_1053 = arith.mulf %sub3A_1046, %sub3A_1046 : vector<256x1024xf32>
    %mul3A_1054 = arith.mulf %sub3A_1049, %sub3A_1049 : vector<256x1024xf32>
    %add3A_1055 = arith.addf %mul3A_1053, %mul3A_1054 : vector<256x1024xf32>
    %mul3A_1056 = arith.mulf %sub3A_1052, %sub3A_1052 : vector<256x1024xf32>
    %add3A_1057 = arith.addf %add3A_1055, %mul3A_1056 : vector<256x1024xf32>
    %lt3A_1058 = arith.constant 0.00999999977 : f32
    %lt3A_1059 = vector.broadcast %lt3A_1058 : f32 to vector<256x1024xf32>
    %lt3A_1060 = arith.cmpf olt, %add3A_1057, %lt3A_1059 : vector<256x1024xf32>
    %convert_element_type3A_1061 = arith.extui %lt3A_1060 : vector<256x1024xi1> to vector<256x1024xi32>
    %convert_element_type3A_1062 = arith.sitofp %convert_element_type3A_1061 : vector<256x1024xi32> to vector<256x1024xf32>
    %convert_element_type3A_1063 = arith.truncf %convert_element_type3A_1062 : vector<256x1024xf32> to vector<256x1024xbf16>
    %dot_general3A_1064 = arith.constant dense<0.000000e+00> : vector<256x1024xf32>
    %dot_general3A_1065 = tpu.matmul %convert_element_type3A_1063, %get3A_8, %dot_general3A_1064 {dimension_numbers = #tpu.dot_dimension_numbers<[1], [0], [0], [1], [0, 0, 1, 1], [], []>, transpose_lhs_hint = false} : vector<256x1024xbf16>, vector<1024x1024xbf16>, vector<256x1024xf32> -> vector<256x1024xf32>
    %add3A_1066 = vector.broadcast %add3A_898 : vector<256x1xf32> to vector<256x1024xf32>
    %add3A_1067 = arith.addf %dot_general3A_1065, %add3A_1066 : vector<256x1024xf32>
    %slice3A_1068 = vector.extract_strided_slice %dot_general3A_1065 {offsets = [0, 1023], sizes = [256, 1], strides = [1, 1]} : vector<256x1024xf32> to vector<256x1xf32>
    %add3A_1069 = arith.addf %add3A_898, %slice3A_1068 : vector<256x1xf32>
    %le3A_1070 = arith.constant 0.000000e+00 : f32
    %le3A_1071 = vector.broadcast %le3A_1070 : f32 to vector<256x1024xf32>
    %le3A_1072 = arith.cmpf ole, %add3A_1067, %le3A_1071 : vector<256x1024xf32>
    %convert_element_type3A_1073 = arith.extui %le3A_1072 : vector<256x1024xi1> to vector<256x1024xi32>
    %convert_element_type3A_1074 = arith.sitofp %convert_element_type3A_1073 : vector<256x1024xi32> to vector<256x1024xf32>
    %reduce_sum3A_1075 = arith.constant dense<0.000000e+00> : vector<256xf32>
    %reduce_sum3A_1076 = vector.multi_reduction <add>, %convert_element_type3A_1074, %reduce_sum3A_1075 [1] : vector<256x1024xf32> to vector<256xf32>
    %broadcast_in_dim3A_1077 = vector.shape_cast %reduce_sum3A_1076 : vector<256xf32> to vector<256x1xf32>
    %le3A_1078 = arith.constant 1.000000e+00 : f32
    %le3A_1079 = vector.broadcast %le3A_1078 : f32 to vector<256x1024xf32>
    %le3A_1080 = arith.cmpf ole, %add3A_1067, %le3A_1079 : vector<256x1024xf32>
    %convert_element_type3A_1081 = arith.extui %le3A_1080 : vector<256x1024xi1> to vector<256x1024xi32>
    %convert_element_type3A_1082 = arith.sitofp %convert_element_type3A_1081 : vector<256x1024xi32> to vector<256x1024xf32>
    %reduce_sum3A_1083 = arith.constant dense<0.000000e+00> : vector<256xf32>
    %reduce_sum3A_1084 = vector.multi_reduction <add>, %convert_element_type3A_1082, %reduce_sum3A_1083 [1] : vector<256x1024xf32> to vector<256xf32>
    %broadcast_in_dim3A_1085 = vector.shape_cast %reduce_sum3A_1084 : vector<256xf32> to vector<256x1xf32>
    %le3A_1086 = arith.constant 2.000000e+00 : f32
    %le3A_1087 = vector.broadcast %le3A_1086 : f32 to vector<256x1024xf32>
    %le3A_1088 = arith.cmpf ole, %add3A_1067, %le3A_1087 : vector<256x1024xf32>
    %convert_element_type3A_1089 = arith.extui %le3A_1088 : vector<256x1024xi1> to vector<256x1024xi32>
    %convert_element_type3A_1090 = arith.sitofp %convert_element_type3A_1089 : vector<256x1024xi32> to vector<256x1024xf32>
    %reduce_sum3A_1091 = arith.constant dense<0.000000e+00> : vector<256xf32>
    %reduce_sum3A_1092 = vector.multi_reduction <add>, %convert_element_type3A_1090, %reduce_sum3A_1091 [1] : vector<256x1024xf32> to vector<256xf32>
    %broadcast_in_dim3A_1093 = vector.shape_cast %reduce_sum3A_1092 : vector<256xf32> to vector<256x1xf32>
    %le3A_1094 = arith.constant 3.000000e+00 : f32
    %le3A_1095 = vector.broadcast %le3A_1094 : f32 to vector<256x1024xf32>
    %le3A_1096 = arith.cmpf ole, %add3A_1067, %le3A_1095 : vector<256x1024xf32>
    %convert_element_type3A_1097 = arith.extui %le3A_1096 : vector<256x1024xi1> to vector<256x1024xi32>
    %convert_element_type3A_1098 = arith.sitofp %convert_element_type3A_1097 : vector<256x1024xi32> to vector<256x1024xf32>
    %reduce_sum3A_1099 = arith.constant dense<0.000000e+00> : vector<256xf32>
    %reduce_sum3A_1100 = vector.multi_reduction <add>, %convert_element_type3A_1098, %reduce_sum3A_1099 [1] : vector<256x1024xf32> to vector<256xf32>
    %broadcast_in_dim3A_1101 = vector.shape_cast %reduce_sum3A_1100 : vector<256xf32> to vector<256x1xf32>
    %le3A_1102 = arith.constant 4.000000e+00 : f32
    %le3A_1103 = vector.broadcast %le3A_1102 : f32 to vector<256x1024xf32>
    %le3A_1104 = arith.cmpf ole, %add3A_1067, %le3A_1103 : vector<256x1024xf32>
    %convert_element_type3A_1105 = arith.extui %le3A_1104 : vector<256x1024xi1> to vector<256x1024xi32>
    %convert_element_type3A_1106 = arith.sitofp %convert_element_type3A_1105 : vector<256x1024xi32> to vector<256x1024xf32>
    %reduce_sum3A_1107 = arith.constant dense<0.000000e+00> : vector<256xf32>
    %reduce_sum3A_1108 = vector.multi_reduction <add>, %convert_element_type3A_1106, %reduce_sum3A_1107 [1] : vector<256x1024xf32> to vector<256xf32>
    %broadcast_in_dim3A_1109 = vector.shape_cast %reduce_sum3A_1108 : vector<256xf32> to vector<256x1xf32>
    %le3A_1110 = arith.constant 5.000000e+00 : f32
    %le3A_1111 = vector.broadcast %le3A_1110 : f32 to vector<256x1024xf32>
    %le3A_1112 = arith.cmpf ole, %add3A_1067, %le3A_1111 : vector<256x1024xf32>
    %convert_element_type3A_1113 = arith.extui %le3A_1112 : vector<256x1024xi1> to vector<256x1024xi32>
    %convert_element_type3A_1114 = arith.sitofp %convert_element_type3A_1113 : vector<256x1024xi32> to vector<256x1024xf32>
    %reduce_sum3A_1115 = arith.constant dense<0.000000e+00> : vector<256xf32>
    %reduce_sum3A_1116 = vector.multi_reduction <add>, %convert_element_type3A_1114, %reduce_sum3A_1115 [1] : vector<256x1024xf32> to vector<256xf32>
    %broadcast_in_dim3A_1117 = vector.shape_cast %reduce_sum3A_1116 : vector<256xf32> to vector<256x1xf32>
    %le3A_1118 = arith.constant 6.000000e+00 : f32
    %le3A_1119 = vector.broadcast %le3A_1118 : f32 to vector<256x1024xf32>
    %le3A_1120 = arith.cmpf ole, %add3A_1067, %le3A_1119 : vector<256x1024xf32>
    %convert_element_type3A_1121 = arith.extui %le3A_1120 : vector<256x1024xi1> to vector<256x1024xi32>
    %convert_element_type3A_1122 = arith.sitofp %convert_element_type3A_1121 : vector<256x1024xi32> to vector<256x1024xf32>
    %reduce_sum3A_1123 = arith.constant dense<0.000000e+00> : vector<256xf32>
    %reduce_sum3A_1124 = vector.multi_reduction <add>, %convert_element_type3A_1122, %reduce_sum3A_1123 [1] : vector<256x1024xf32> to vector<256xf32>
    %broadcast_in_dim3A_1125 = vector.shape_cast %reduce_sum3A_1124 : vector<256xf32> to vector<256x1xf32>
    %le3A_1126 = arith.constant 7.000000e+00 : f32
    %le3A_1127 = vector.broadcast %le3A_1126 : f32 to vector<256x1024xf32>
    %le3A_1128 = arith.cmpf ole, %add3A_1067, %le3A_1127 : vector<256x1024xf32>
    %convert_element_type3A_1129 = arith.extui %le3A_1128 : vector<256x1024xi1> to vector<256x1024xi32>
    %convert_element_type3A_1130 = arith.sitofp %convert_element_type3A_1129 : vector<256x1024xi32> to vector<256x1024xf32>
    %reduce_sum3A_1131 = arith.constant dense<0.000000e+00> : vector<256xf32>
    %reduce_sum3A_1132 = vector.multi_reduction <add>, %convert_element_type3A_1130, %reduce_sum3A_1131 [1] : vector<256x1024xf32> to vector<256xf32>
    %broadcast_in_dim3A_1133 = vector.shape_cast %reduce_sum3A_1132 : vector<256xf32> to vector<256x1xf32>
    %le3A_1134 = arith.constant 8.000000e+00 : f32
    %le3A_1135 = vector.broadcast %le3A_1134 : f32 to vector<256x1024xf32>
    %le3A_1136 = arith.cmpf ole, %add3A_1067, %le3A_1135 : vector<256x1024xf32>
    %convert_element_type3A_1137 = arith.extui %le3A_1136 : vector<256x1024xi1> to vector<256x1024xi32>
    %convert_element_type3A_1138 = arith.sitofp %convert_element_type3A_1137 : vector<256x1024xi32> to vector<256x1024xf32>
    %reduce_sum3A_1139 = arith.constant dense<0.000000e+00> : vector<256xf32>
    %reduce_sum3A_1140 = vector.multi_reduction <add>, %convert_element_type3A_1138, %reduce_sum3A_1139 [1] : vector<256x1024xf32> to vector<256xf32>
    %broadcast_in_dim3A_1141 = vector.shape_cast %reduce_sum3A_1140 : vector<256xf32> to vector<256x1xf32>
    %le3A_1142 = arith.constant 9.000000e+00 : f32
    %le3A_1143 = vector.broadcast %le3A_1142 : f32 to vector<256x1024xf32>
    %le3A_1144 = arith.cmpf ole, %add3A_1067, %le3A_1143 : vector<256x1024xf32>
    %convert_element_type3A_1145 = arith.extui %le3A_1144 : vector<256x1024xi1> to vector<256x1024xi32>
    %convert_element_type3A_1146 = arith.sitofp %convert_element_type3A_1145 : vector<256x1024xi32> to vector<256x1024xf32>
    %reduce_sum3A_1147 = arith.constant dense<0.000000e+00> : vector<256xf32>
    %reduce_sum3A_1148 = vector.multi_reduction <add>, %convert_element_type3A_1146, %reduce_sum3A_1147 [1] : vector<256x1024xf32> to vector<256xf32>
    %broadcast_in_dim3A_1149 = vector.shape_cast %reduce_sum3A_1148 : vector<256xf32> to vector<256x1xf32>
    %le3A_1150 = arith.constant 1.000000e+01 : f32
    %le3A_1151 = vector.broadcast %le3A_1150 : f32 to vector<256x1024xf32>
    %le3A_1152 = arith.cmpf ole, %add3A_1067, %le3A_1151 : vector<256x1024xf32>
    %convert_element_type3A_1153 = arith.extui %le3A_1152 : vector<256x1024xi1> to vector<256x1024xi32>
    %convert_element_type3A_1154 = arith.sitofp %convert_element_type3A_1153 : vector<256x1024xi32> to vector<256x1024xf32>
    %reduce_sum3A_1155 = arith.constant dense<0.000000e+00> : vector<256xf32>
    %reduce_sum3A_1156 = vector.multi_reduction <add>, %convert_element_type3A_1154, %reduce_sum3A_1155 [1] : vector<256x1024xf32> to vector<256xf32>
    %broadcast_in_dim3A_1157 = vector.shape_cast %reduce_sum3A_1156 : vector<256xf32> to vector<256x1xf32>
    %le3A_1158 = arith.constant 1.100000e+01 : f32
    %le3A_1159 = vector.broadcast %le3A_1158 : f32 to vector<256x1024xf32>
    %le3A_1160 = arith.cmpf ole, %add3A_1067, %le3A_1159 : vector<256x1024xf32>
    %convert_element_type3A_1161 = arith.extui %le3A_1160 : vector<256x1024xi1> to vector<256x1024xi32>
    %convert_element_type3A_1162 = arith.sitofp %convert_element_type3A_1161 : vector<256x1024xi32> to vector<256x1024xf32>
    %reduce_sum3A_1163 = arith.constant dense<0.000000e+00> : vector<256xf32>
    %reduce_sum3A_1164 = vector.multi_reduction <add>, %convert_element_type3A_1162, %reduce_sum3A_1163 [1] : vector<256x1024xf32> to vector<256xf32>
    %broadcast_in_dim3A_1165 = vector.shape_cast %reduce_sum3A_1164 : vector<256xf32> to vector<256x1xf32>
    %le3A_1166 = arith.constant 1.200000e+01 : f32
    %le3A_1167 = vector.broadcast %le3A_1166 : f32 to vector<256x1024xf32>
    %le3A_1168 = arith.cmpf ole, %add3A_1067, %le3A_1167 : vector<256x1024xf32>
    %convert_element_type3A_1169 = arith.extui %le3A_1168 : vector<256x1024xi1> to vector<256x1024xi32>
    %convert_element_type3A_1170 = arith.sitofp %convert_element_type3A_1169 : vector<256x1024xi32> to vector<256x1024xf32>
    %reduce_sum3A_1171 = arith.constant dense<0.000000e+00> : vector<256xf32>
    %reduce_sum3A_1172 = vector.multi_reduction <add>, %convert_element_type3A_1170, %reduce_sum3A_1171 [1] : vector<256x1024xf32> to vector<256xf32>
    %broadcast_in_dim3A_1173 = vector.shape_cast %reduce_sum3A_1172 : vector<256xf32> to vector<256x1xf32>
    %le3A_1174 = arith.constant 1.300000e+01 : f32
    %le3A_1175 = vector.broadcast %le3A_1174 : f32 to vector<256x1024xf32>
    %le3A_1176 = arith.cmpf ole, %add3A_1067, %le3A_1175 : vector<256x1024xf32>
    %convert_element_type3A_1177 = arith.extui %le3A_1176 : vector<256x1024xi1> to vector<256x1024xi32>
    %convert_element_type3A_1178 = arith.sitofp %convert_element_type3A_1177 : vector<256x1024xi32> to vector<256x1024xf32>
    %reduce_sum3A_1179 = arith.constant dense<0.000000e+00> : vector<256xf32>
    %reduce_sum3A_1180 = vector.multi_reduction <add>, %convert_element_type3A_1178, %reduce_sum3A_1179 [1] : vector<256x1024xf32> to vector<256xf32>
    %broadcast_in_dim3A_1181 = vector.shape_cast %reduce_sum3A_1180 : vector<256xf32> to vector<256x1xf32>
    %le3A_1182 = arith.constant 1.400000e+01 : f32
    %le3A_1183 = vector.broadcast %le3A_1182 : f32 to vector<256x1024xf32>
    %le3A_1184 = arith.cmpf ole, %add3A_1067, %le3A_1183 : vector<256x1024xf32>
    %convert_element_type3A_1185 = arith.extui %le3A_1184 : vector<256x1024xi1> to vector<256x1024xi32>
    %convert_element_type3A_1186 = arith.sitofp %convert_element_type3A_1185 : vector<256x1024xi32> to vector<256x1024xf32>
    %reduce_sum3A_1187 = arith.constant dense<0.000000e+00> : vector<256xf32>
    %reduce_sum3A_1188 = vector.multi_reduction <add>, %convert_element_type3A_1186, %reduce_sum3A_1187 [1] : vector<256x1024xf32> to vector<256xf32>
    %broadcast_in_dim3A_1189 = vector.shape_cast %reduce_sum3A_1188 : vector<256xf32> to vector<256x1xf32>
    %le3A_1190 = arith.constant 1.500000e+01 : f32
    %le3A_1191 = vector.broadcast %le3A_1190 : f32 to vector<256x1024xf32>
    %le3A_1192 = arith.cmpf ole, %add3A_1067, %le3A_1191 : vector<256x1024xf32>
    %convert_element_type3A_1193 = arith.extui %le3A_1192 : vector<256x1024xi1> to vector<256x1024xi32>
    %convert_element_type3A_1194 = arith.sitofp %convert_element_type3A_1193 : vector<256x1024xi32> to vector<256x1024xf32>
    %reduce_sum3A_1195 = arith.constant dense<0.000000e+00> : vector<256xf32>
    %reduce_sum3A_1196 = vector.multi_reduction <add>, %convert_element_type3A_1194, %reduce_sum3A_1195 [1] : vector<256x1024xf32> to vector<256xf32>
    %broadcast_in_dim3A_1197 = vector.shape_cast %reduce_sum3A_1196 : vector<256xf32> to vector<256x1xf32>
    %concatenate3A_1198 = tpu.concatenate %broadcast_in_dim3A_1077, %broadcast_in_dim3A_1085, %broadcast_in_dim3A_1093, %broadcast_in_dim3A_1101, %broadcast_in_dim3A_1109, %broadcast_in_dim3A_1117, %broadcast_in_dim3A_1125, %broadcast_in_dim3A_1133, %broadcast_in_dim3A_1141, %broadcast_in_dim3A_1149, %broadcast_in_dim3A_1157, %broadcast_in_dim3A_1165, %broadcast_in_dim3A_1173, %broadcast_in_dim3A_1181, %broadcast_in_dim3A_1189, %broadcast_in_dim3A_1197 in 1 : vector<256x1xf32>, vector<256x1xf32>, vector<256x1xf32>, vector<256x1xf32>, vector<256x1xf32>, vector<256x1xf32>, vector<256x1xf32>, vector<256x1xf32>, vector<256x1xf32>, vector<256x1xf32>, vector<256x1xf32>, vector<256x1xf32>, vector<256x1xf32>, vector<256x1xf32>, vector<256x1xf32>, vector<256x1xf32> -> vector<256x16xf32>
    %add3A_1199 = arith.addf %add3A_1028, %concatenate3A_1198 : vector<256x16xf32>
    %get3A_1200 = arith.constant 0 : index
    %get3A_1201 = arith.constant 0 : index
    %get3A_1202 = arith.constant 7168 : index
    %get3A_1203 = vector.load %arg3[%get3A_1200, %get3A_1201, %get3A_1202] : memref<1x3x8192xf32, #tpu.memory_space<vmem>>, vector<1x1x1024xf32>
    %get3A_1204 = vector.shape_cast %get3A_1203 : vector<1x1x1024xf32> to vector<1x1024xf32>
    %get3A_1205 = arith.constant 0 : index
    %get3A_1206 = arith.constant 1 : index
    %get3A_1207 = arith.constant 7168 : index
    %get3A_1208 = vector.load %arg3[%get3A_1205, %get3A_1206, %get3A_1207] : memref<1x3x8192xf32, #tpu.memory_space<vmem>>, vector<1x1x1024xf32>
    %get3A_1209 = vector.shape_cast %get3A_1208 : vector<1x1x1024xf32> to vector<1x1024xf32>
    %get3A_1210 = arith.constant 0 : index
    %get3A_1211 = arith.constant 2 : index
    %get3A_1212 = arith.constant 7168 : index
    %get3A_1213 = vector.load %arg3[%get3A_1210, %get3A_1211, %get3A_1212] : memref<1x3x8192xf32, #tpu.memory_space<vmem>>, vector<1x1x1024xf32>
    %get3A_1214 = vector.shape_cast %get3A_1213 : vector<1x1x1024xf32> to vector<1x1024xf32>
    %sub3A_1215 = vector.broadcast %slice3A : vector<256x1xf32> to vector<256x1024xf32>
    %sub3A_1216 = vector.broadcast %get3A_1204 : vector<1x1024xf32> to vector<256x1024xf32>
    %sub3A_1217 = arith.subf %sub3A_1215, %sub3A_1216 : vector<256x1024xf32>
    %sub3A_1218 = vector.broadcast %slice3A_4 : vector<256x1xf32> to vector<256x1024xf32>
    %sub3A_1219 = vector.broadcast %get3A_1209 : vector<1x1024xf32> to vector<256x1024xf32>
    %sub3A_1220 = arith.subf %sub3A_1218, %sub3A_1219 : vector<256x1024xf32>
    %sub3A_1221 = vector.broadcast %slice3A_5 : vector<256x1xf32> to vector<256x1024xf32>
    %sub3A_1222 = vector.broadcast %get3A_1214 : vector<1x1024xf32> to vector<256x1024xf32>
    %sub3A_1223 = arith.subf %sub3A_1221, %sub3A_1222 : vector<256x1024xf32>
    %mul3A_1224 = arith.mulf %sub3A_1217, %sub3A_1217 : vector<256x1024xf32>
    %mul3A_1225 = arith.mulf %sub3A_1220, %sub3A_1220 : vector<256x1024xf32>
    %add3A_1226 = arith.addf %mul3A_1224, %mul3A_1225 : vector<256x1024xf32>
    %mul3A_1227 = arith.mulf %sub3A_1223, %sub3A_1223 : vector<256x1024xf32>
    %add3A_1228 = arith.addf %add3A_1226, %mul3A_1227 : vector<256x1024xf32>
    %lt3A_1229 = arith.constant 0.00999999977 : f32
    %lt3A_1230 = vector.broadcast %lt3A_1229 : f32 to vector<256x1024xf32>
    %lt3A_1231 = arith.cmpf olt, %add3A_1228, %lt3A_1230 : vector<256x1024xf32>
    %convert_element_type3A_1232 = arith.extui %lt3A_1231 : vector<256x1024xi1> to vector<256x1024xi32>
    %convert_element_type3A_1233 = arith.sitofp %convert_element_type3A_1232 : vector<256x1024xi32> to vector<256x1024xf32>
    %convert_element_type3A_1234 = arith.truncf %convert_element_type3A_1233 : vector<256x1024xf32> to vector<256x1024xbf16>
    %dot_general3A_1235 = arith.constant dense<0.000000e+00> : vector<256x1024xf32>
    %dot_general3A_1236 = tpu.matmul %convert_element_type3A_1234, %get3A_8, %dot_general3A_1235 {dimension_numbers = #tpu.dot_dimension_numbers<[1], [0], [0], [1], [0, 0, 1, 1], [], []>, transpose_lhs_hint = false} : vector<256x1024xbf16>, vector<1024x1024xbf16>, vector<256x1024xf32> -> vector<256x1024xf32>
    %add3A_1237 = vector.broadcast %add3A_1069 : vector<256x1xf32> to vector<256x1024xf32>
    %add3A_1238 = arith.addf %dot_general3A_1236, %add3A_1237 : vector<256x1024xf32>
    %slice3A_1239 = vector.extract_strided_slice %dot_general3A_1236 {offsets = [0, 1023], sizes = [256, 1], strides = [1, 1]} : vector<256x1024xf32> to vector<256x1xf32>
    %add3A_1240 = arith.addf %add3A_1069, %slice3A_1239 : vector<256x1xf32>
    %le3A_1241 = arith.constant 0.000000e+00 : f32
    %le3A_1242 = vector.broadcast %le3A_1241 : f32 to vector<256x1024xf32>
    %le3A_1243 = arith.cmpf ole, %add3A_1238, %le3A_1242 : vector<256x1024xf32>
    %convert_element_type3A_1244 = arith.extui %le3A_1243 : vector<256x1024xi1> to vector<256x1024xi32>
    %convert_element_type3A_1245 = arith.sitofp %convert_element_type3A_1244 : vector<256x1024xi32> to vector<256x1024xf32>
    %reduce_sum3A_1246 = arith.constant dense<0.000000e+00> : vector<256xf32>
    %reduce_sum3A_1247 = vector.multi_reduction <add>, %convert_element_type3A_1245, %reduce_sum3A_1246 [1] : vector<256x1024xf32> to vector<256xf32>
    %broadcast_in_dim3A_1248 = vector.shape_cast %reduce_sum3A_1247 : vector<256xf32> to vector<256x1xf32>
    %le3A_1249 = arith.constant 1.000000e+00 : f32
    %le3A_1250 = vector.broadcast %le3A_1249 : f32 to vector<256x1024xf32>
    %le3A_1251 = arith.cmpf ole, %add3A_1238, %le3A_1250 : vector<256x1024xf32>
    %convert_element_type3A_1252 = arith.extui %le3A_1251 : vector<256x1024xi1> to vector<256x1024xi32>
    %convert_element_type3A_1253 = arith.sitofp %convert_element_type3A_1252 : vector<256x1024xi32> to vector<256x1024xf32>
    %reduce_sum3A_1254 = arith.constant dense<0.000000e+00> : vector<256xf32>
    %reduce_sum3A_1255 = vector.multi_reduction <add>, %convert_element_type3A_1253, %reduce_sum3A_1254 [1] : vector<256x1024xf32> to vector<256xf32>
    %broadcast_in_dim3A_1256 = vector.shape_cast %reduce_sum3A_1255 : vector<256xf32> to vector<256x1xf32>
    %le3A_1257 = arith.constant 2.000000e+00 : f32
    %le3A_1258 = vector.broadcast %le3A_1257 : f32 to vector<256x1024xf32>
    %le3A_1259 = arith.cmpf ole, %add3A_1238, %le3A_1258 : vector<256x1024xf32>
    %convert_element_type3A_1260 = arith.extui %le3A_1259 : vector<256x1024xi1> to vector<256x1024xi32>
    %convert_element_type3A_1261 = arith.sitofp %convert_element_type3A_1260 : vector<256x1024xi32> to vector<256x1024xf32>
    %reduce_sum3A_1262 = arith.constant dense<0.000000e+00> : vector<256xf32>
    %reduce_sum3A_1263 = vector.multi_reduction <add>, %convert_element_type3A_1261, %reduce_sum3A_1262 [1] : vector<256x1024xf32> to vector<256xf32>
    %broadcast_in_dim3A_1264 = vector.shape_cast %reduce_sum3A_1263 : vector<256xf32> to vector<256x1xf32>
    %le3A_1265 = arith.constant 3.000000e+00 : f32
    %le3A_1266 = vector.broadcast %le3A_1265 : f32 to vector<256x1024xf32>
    %le3A_1267 = arith.cmpf ole, %add3A_1238, %le3A_1266 : vector<256x1024xf32>
    %convert_element_type3A_1268 = arith.extui %le3A_1267 : vector<256x1024xi1> to vector<256x1024xi32>
    %convert_element_type3A_1269 = arith.sitofp %convert_element_type3A_1268 : vector<256x1024xi32> to vector<256x1024xf32>
    %reduce_sum3A_1270 = arith.constant dense<0.000000e+00> : vector<256xf32>
    %reduce_sum3A_1271 = vector.multi_reduction <add>, %convert_element_type3A_1269, %reduce_sum3A_1270 [1] : vector<256x1024xf32> to vector<256xf32>
    %broadcast_in_dim3A_1272 = vector.shape_cast %reduce_sum3A_1271 : vector<256xf32> to vector<256x1xf32>
    %le3A_1273 = arith.constant 4.000000e+00 : f32
    %le3A_1274 = vector.broadcast %le3A_1273 : f32 to vector<256x1024xf32>
    %le3A_1275 = arith.cmpf ole, %add3A_1238, %le3A_1274 : vector<256x1024xf32>
    %convert_element_type3A_1276 = arith.extui %le3A_1275 : vector<256x1024xi1> to vector<256x1024xi32>
    %convert_element_type3A_1277 = arith.sitofp %convert_element_type3A_1276 : vector<256x1024xi32> to vector<256x1024xf32>
    %reduce_sum3A_1278 = arith.constant dense<0.000000e+00> : vector<256xf32>
    %reduce_sum3A_1279 = vector.multi_reduction <add>, %convert_element_type3A_1277, %reduce_sum3A_1278 [1] : vector<256x1024xf32> to vector<256xf32>
    %broadcast_in_dim3A_1280 = vector.shape_cast %reduce_sum3A_1279 : vector<256xf32> to vector<256x1xf32>
    %le3A_1281 = arith.constant 5.000000e+00 : f32
    %le3A_1282 = vector.broadcast %le3A_1281 : f32 to vector<256x1024xf32>
    %le3A_1283 = arith.cmpf ole, %add3A_1238, %le3A_1282 : vector<256x1024xf32>
    %convert_element_type3A_1284 = arith.extui %le3A_1283 : vector<256x1024xi1> to vector<256x1024xi32>
    %convert_element_type3A_1285 = arith.sitofp %convert_element_type3A_1284 : vector<256x1024xi32> to vector<256x1024xf32>
    %reduce_sum3A_1286 = arith.constant dense<0.000000e+00> : vector<256xf32>
    %reduce_sum3A_1287 = vector.multi_reduction <add>, %convert_element_type3A_1285, %reduce_sum3A_1286 [1] : vector<256x1024xf32> to vector<256xf32>
    %broadcast_in_dim3A_1288 = vector.shape_cast %reduce_sum3A_1287 : vector<256xf32> to vector<256x1xf32>
    %le3A_1289 = arith.constant 6.000000e+00 : f32
    %le3A_1290 = vector.broadcast %le3A_1289 : f32 to vector<256x1024xf32>
    %le3A_1291 = arith.cmpf ole, %add3A_1238, %le3A_1290 : vector<256x1024xf32>
    %convert_element_type3A_1292 = arith.extui %le3A_1291 : vector<256x1024xi1> to vector<256x1024xi32>
    %convert_element_type3A_1293 = arith.sitofp %convert_element_type3A_1292 : vector<256x1024xi32> to vector<256x1024xf32>
    %reduce_sum3A_1294 = arith.constant dense<0.000000e+00> : vector<256xf32>
    %reduce_sum3A_1295 = vector.multi_reduction <add>, %convert_element_type3A_1293, %reduce_sum3A_1294 [1] : vector<256x1024xf32> to vector<256xf32>
    %broadcast_in_dim3A_1296 = vector.shape_cast %reduce_sum3A_1295 : vector<256xf32> to vector<256x1xf32>
    %le3A_1297 = arith.constant 7.000000e+00 : f32
    %le3A_1298 = vector.broadcast %le3A_1297 : f32 to vector<256x1024xf32>
    %le3A_1299 = arith.cmpf ole, %add3A_1238, %le3A_1298 : vector<256x1024xf32>
    %convert_element_type3A_1300 = arith.extui %le3A_1299 : vector<256x1024xi1> to vector<256x1024xi32>
    %convert_element_type3A_1301 = arith.sitofp %convert_element_type3A_1300 : vector<256x1024xi32> to vector<256x1024xf32>
    %reduce_sum3A_1302 = arith.constant dense<0.000000e+00> : vector<256xf32>
    %reduce_sum3A_1303 = vector.multi_reduction <add>, %convert_element_type3A_1301, %reduce_sum3A_1302 [1] : vector<256x1024xf32> to vector<256xf32>
    %broadcast_in_dim3A_1304 = vector.shape_cast %reduce_sum3A_1303 : vector<256xf32> to vector<256x1xf32>
    %le3A_1305 = arith.constant 8.000000e+00 : f32
    %le3A_1306 = vector.broadcast %le3A_1305 : f32 to vector<256x1024xf32>
    %le3A_1307 = arith.cmpf ole, %add3A_1238, %le3A_1306 : vector<256x1024xf32>
    %convert_element_type3A_1308 = arith.extui %le3A_1307 : vector<256x1024xi1> to vector<256x1024xi32>
    %convert_element_type3A_1309 = arith.sitofp %convert_element_type3A_1308 : vector<256x1024xi32> to vector<256x1024xf32>
    %reduce_sum3A_1310 = arith.constant dense<0.000000e+00> : vector<256xf32>
    %reduce_sum3A_1311 = vector.multi_reduction <add>, %convert_element_type3A_1309, %reduce_sum3A_1310 [1] : vector<256x1024xf32> to vector<256xf32>
    %broadcast_in_dim3A_1312 = vector.shape_cast %reduce_sum3A_1311 : vector<256xf32> to vector<256x1xf32>
    %le3A_1313 = arith.constant 9.000000e+00 : f32
    %le3A_1314 = vector.broadcast %le3A_1313 : f32 to vector<256x1024xf32>
    %le3A_1315 = arith.cmpf ole, %add3A_1238, %le3A_1314 : vector<256x1024xf32>
    %convert_element_type3A_1316 = arith.extui %le3A_1315 : vector<256x1024xi1> to vector<256x1024xi32>
    %convert_element_type3A_1317 = arith.sitofp %convert_element_type3A_1316 : vector<256x1024xi32> to vector<256x1024xf32>
    %reduce_sum3A_1318 = arith.constant dense<0.000000e+00> : vector<256xf32>
    %reduce_sum3A_1319 = vector.multi_reduction <add>, %convert_element_type3A_1317, %reduce_sum3A_1318 [1] : vector<256x1024xf32> to vector<256xf32>
    %broadcast_in_dim3A_1320 = vector.shape_cast %reduce_sum3A_1319 : vector<256xf32> to vector<256x1xf32>
    %le3A_1321 = arith.constant 1.000000e+01 : f32
    %le3A_1322 = vector.broadcast %le3A_1321 : f32 to vector<256x1024xf32>
    %le3A_1323 = arith.cmpf ole, %add3A_1238, %le3A_1322 : vector<256x1024xf32>
    %convert_element_type3A_1324 = arith.extui %le3A_1323 : vector<256x1024xi1> to vector<256x1024xi32>
    %convert_element_type3A_1325 = arith.sitofp %convert_element_type3A_1324 : vector<256x1024xi32> to vector<256x1024xf32>
    %reduce_sum3A_1326 = arith.constant dense<0.000000e+00> : vector<256xf32>
    %reduce_sum3A_1327 = vector.multi_reduction <add>, %convert_element_type3A_1325, %reduce_sum3A_1326 [1] : vector<256x1024xf32> to vector<256xf32>
    %broadcast_in_dim3A_1328 = vector.shape_cast %reduce_sum3A_1327 : vector<256xf32> to vector<256x1xf32>
    %le3A_1329 = arith.constant 1.100000e+01 : f32
    %le3A_1330 = vector.broadcast %le3A_1329 : f32 to vector<256x1024xf32>
    %le3A_1331 = arith.cmpf ole, %add3A_1238, %le3A_1330 : vector<256x1024xf32>
    %convert_element_type3A_1332 = arith.extui %le3A_1331 : vector<256x1024xi1> to vector<256x1024xi32>
    %convert_element_type3A_1333 = arith.sitofp %convert_element_type3A_1332 : vector<256x1024xi32> to vector<256x1024xf32>
    %reduce_sum3A_1334 = arith.constant dense<0.000000e+00> : vector<256xf32>
    %reduce_sum3A_1335 = vector.multi_reduction <add>, %convert_element_type3A_1333, %reduce_sum3A_1334 [1] : vector<256x1024xf32> to vector<256xf32>
    %broadcast_in_dim3A_1336 = vector.shape_cast %reduce_sum3A_1335 : vector<256xf32> to vector<256x1xf32>
    %le3A_1337 = arith.constant 1.200000e+01 : f32
    %le3A_1338 = vector.broadcast %le3A_1337 : f32 to vector<256x1024xf32>
    %le3A_1339 = arith.cmpf ole, %add3A_1238, %le3A_1338 : vector<256x1024xf32>
    %convert_element_type3A_1340 = arith.extui %le3A_1339 : vector<256x1024xi1> to vector<256x1024xi32>
    %convert_element_type3A_1341 = arith.sitofp %convert_element_type3A_1340 : vector<256x1024xi32> to vector<256x1024xf32>
    %reduce_sum3A_1342 = arith.constant dense<0.000000e+00> : vector<256xf32>
    %reduce_sum3A_1343 = vector.multi_reduction <add>, %convert_element_type3A_1341, %reduce_sum3A_1342 [1] : vector<256x1024xf32> to vector<256xf32>
    %broadcast_in_dim3A_1344 = vector.shape_cast %reduce_sum3A_1343 : vector<256xf32> to vector<256x1xf32>
    %le3A_1345 = arith.constant 1.300000e+01 : f32
    %le3A_1346 = vector.broadcast %le3A_1345 : f32 to vector<256x1024xf32>
    %le3A_1347 = arith.cmpf ole, %add3A_1238, %le3A_1346 : vector<256x1024xf32>
    %convert_element_type3A_1348 = arith.extui %le3A_1347 : vector<256x1024xi1> to vector<256x1024xi32>
    %convert_element_type3A_1349 = arith.sitofp %convert_element_type3A_1348 : vector<256x1024xi32> to vector<256x1024xf32>
    %reduce_sum3A_1350 = arith.constant dense<0.000000e+00> : vector<256xf32>
    %reduce_sum3A_1351 = vector.multi_reduction <add>, %convert_element_type3A_1349, %reduce_sum3A_1350 [1] : vector<256x1024xf32> to vector<256xf32>
    %broadcast_in_dim3A_1352 = vector.shape_cast %reduce_sum3A_1351 : vector<256xf32> to vector<256x1xf32>
    %le3A_1353 = arith.constant 1.400000e+01 : f32
    %le3A_1354 = vector.broadcast %le3A_1353 : f32 to vector<256x1024xf32>
    %le3A_1355 = arith.cmpf ole, %add3A_1238, %le3A_1354 : vector<256x1024xf32>
    %convert_element_type3A_1356 = arith.extui %le3A_1355 : vector<256x1024xi1> to vector<256x1024xi32>
    %convert_element_type3A_1357 = arith.sitofp %convert_element_type3A_1356 : vector<256x1024xi32> to vector<256x1024xf32>
    %reduce_sum3A_1358 = arith.constant dense<0.000000e+00> : vector<256xf32>
    %reduce_sum3A_1359 = vector.multi_reduction <add>, %convert_element_type3A_1357, %reduce_sum3A_1358 [1] : vector<256x1024xf32> to vector<256xf32>
    %broadcast_in_dim3A_1360 = vector.shape_cast %reduce_sum3A_1359 : vector<256xf32> to vector<256x1xf32>
    %le3A_1361 = arith.constant 1.500000e+01 : f32
    %le3A_1362 = vector.broadcast %le3A_1361 : f32 to vector<256x1024xf32>
    %le3A_1363 = arith.cmpf ole, %add3A_1238, %le3A_1362 : vector<256x1024xf32>
    %convert_element_type3A_1364 = arith.extui %le3A_1363 : vector<256x1024xi1> to vector<256x1024xi32>
    %convert_element_type3A_1365 = arith.sitofp %convert_element_type3A_1364 : vector<256x1024xi32> to vector<256x1024xf32>
    %reduce_sum3A_1366 = arith.constant dense<0.000000e+00> : vector<256xf32>
    %reduce_sum3A_1367 = vector.multi_reduction <add>, %convert_element_type3A_1365, %reduce_sum3A_1366 [1] : vector<256x1024xf32> to vector<256xf32>
    %broadcast_in_dim3A_1368 = vector.shape_cast %reduce_sum3A_1367 : vector<256xf32> to vector<256x1xf32>
    %concatenate3A_1369 = tpu.concatenate %broadcast_in_dim3A_1248, %broadcast_in_dim3A_1256, %broadcast_in_dim3A_1264, %broadcast_in_dim3A_1272, %broadcast_in_dim3A_1280, %broadcast_in_dim3A_1288, %broadcast_in_dim3A_1296, %broadcast_in_dim3A_1304, %broadcast_in_dim3A_1312, %broadcast_in_dim3A_1320, %broadcast_in_dim3A_1328, %broadcast_in_dim3A_1336, %broadcast_in_dim3A_1344, %broadcast_in_dim3A_1352, %broadcast_in_dim3A_1360, %broadcast_in_dim3A_1368 in 1 : vector<256x1xf32>, vector<256x1xf32>, vector<256x1xf32>, vector<256x1xf32>, vector<256x1xf32>, vector<256x1xf32>, vector<256x1xf32>, vector<256x1xf32>, vector<256x1xf32>, vector<256x1xf32>, vector<256x1xf32>, vector<256x1xf32>, vector<256x1xf32>, vector<256x1xf32>, vector<256x1xf32>, vector<256x1xf32> -> vector<256x16xf32>
    %add3A_1370 = arith.addf %add3A_1199, %concatenate3A_1369 : vector<256x16xf32>
    %min3A = arith.constant 1.600000e+01 : f32
    %min3A_1371 = vector.broadcast %min3A : f32 to vector<256x1xf32>
    %min3A_1372 = arith.minimumf %add3A_1240, %min3A_1371 : vector<256x1xf32>
    %iota3A = tpu.iota {dimensions = array<i32: 1>} : vector<256x16xi32>
    %convert_element_type3A_1373 = arith.sitofp %iota3A : vector<256x16xi32> to vector<256x16xf32>
    %lt3A_1374 = vector.broadcast %min3A_1372 : vector<256x1xf32> to vector<256x16xf32>
    %lt3A_1375 = arith.cmpf olt, %convert_element_type3A_1373, %lt3A_1374 : vector<256x16xf32>
    %slice3A_1376 = vector.extract_strided_slice %add3A_1370 {offsets = [0, 0], sizes = [256, 1], strides = [1, 1]} : vector<256x16xf32> to vector<256x1xf32>
    %broadcast_in_dim3A_1377 = vector.shape_cast %slice3A_1376 : vector<256x1xf32> to vector<256x1xf32>
    %broadcast_in_dim3A_1378 = vector.broadcast %broadcast_in_dim3A_1377 : vector<256x1xf32> to vector<256x16xf32>
    %select_n3A = arith.select %lt3A_1375, %add3A_1370, %broadcast_in_dim3A_1378 : vector<256x16xi1>, vector<256x16xf32>
    %convert_element_type3A_1379 = arith.fptosi %select_n3A : vector<256x16xf32> to vector<256x16xi32>
    %mul3A_1380 = arith.constant 8192 : i32
    %mul3A_1381 = arith.muli %arg0, %mul3A_1380 : i32
    %add3A_1382 = vector.broadcast %mul3A_1381 : i32 to vector<256x16xi32>
    %add3A_1383 = arith.addi %convert_element_type3A_1379, %add3A_1382 : vector<256x16xi32>
    %swap3A = arith.constant 0 : index
    %swap3A_1384 = arith.constant 0 : index
    %swap3A_1385 = arith.constant 0 : index
    %swap3A_1386 = vector.load %arg5[%swap3A, %swap3A_1384, %swap3A_1385] : memref<1x256x16xi32, #tpu.memory_space<vmem>>, vector<1x256x16xi32>
    %swap3A_1387 = vector.shape_cast %swap3A_1386 : vector<1x256x16xi32> to vector<256x16xi32>
    %swap3A_1388 = vector.shape_cast %add3A_1383 : vector<256x16xi32> to vector<1x256x16xi32>
    tpu.vector_store %arg5[%swap3A, %swap3A_1384, %swap3A_1385], %swap3A_1388 {strides = array<i32>} : memref<1x256x16xi32, #tpu.memory_space<vmem>>, vector<1x256x16xi32>,
    %convert_element_type3A_1389 = arith.extui %lt3A_1375 : vector<256x16xi1> to vector<256x16xi32>
    %convert_element_type3A_1390 = arith.sitofp %convert_element_type3A_1389 : vector<256x16xi32> to vector<256x16xf32>
    %div3A = vector.broadcast %min3A_1372 : vector<256x1xf32> to vector<256x16xf32>
    %div3A_1391 = arith.divf %convert_element_type3A_1390, %div3A : vector<256x16xf32>
    %swap3A_1392 = arith.constant 0 : index
    %swap3A_1393 = arith.constant 0 : index
    %swap3A_1394 = arith.constant 0 : index
    %swap3A_1395 = vector.load %arg6[%swap3A_1392, %swap3A_1393, %swap3A_1394] : memref<1x256x16xf32, #tpu.memory_space<vmem>>, vector<1x256x16xf32>
    %swap3A_1396 = vector.shape_cast %swap3A_1395 : vector<1x256x16xf32> to vector<256x16xf32>
    %swap3A_1397 = vector.shape_cast %div3A_1391 : vector<256x16xf32> to vector<1x256x16xf32>
    tpu.vector_store %arg6[%swap3A_1392, %swap3A_1393, %swap3A_1394], %swap3A_1397 {strides = array<i32>} : memref<1x256x16xf32, #tpu.memory_space<vmem>>, vector<1x256x16xf32>,
    return
  }
  func.func @transform_0(%arg0: i32, %arg1: i32) -> (i32, i32, i32) {
    %c0_i32 = arith.constant 0 : i32
    %c0_i32_0 = arith.constant 0 : i32
    return %arg0, %arg1, %c0_i32 : i32, i32, i32
  }
  func.func @transform_1(%arg0: i32, %arg1: i32) -> (i32, i32, i32) {
    %c0_i32 = arith.constant 0 : i32
    %c0_i32_0 = arith.constant 0 : i32
    %c0_i32_1 = arith.constant 0 : i32
    return %arg0, %c0_i32, %c0_i32_0 : i32, i32, i32
  }
  func.func @transform_2(%arg0: i32, %arg1: i32) -> (i32, i32) {
    %c0_i32 = arith.constant 0 : i32
    %c0_i32_0 = arith.constant 0 : i32
    %c0_i32_1 = arith.constant 0 : i32
    return %c0_i32, %c0_i32_0 : i32, i32
  }
  func.func @transform_3(%arg0: i32, %arg1: i32) -> (i32, i32, i32) {
    %c0_i32 = arith.constant 0 : i32
    %c0_i32_0 = arith.constant 0 : i32
    return %arg0, %arg1, %c0_i32 : i32, i32, i32
  }
  func.func @transform_4(%arg0: i32, %arg1: i32) -> (i32, i32, i32) {
    %c0_i32 = arith.constant 0 : i32
    %c0_i32_0 = arith.constant 0 : i32
    return %arg0, %arg1, %c0_i32 : i32, i32, i32
  }
}

module attributes {stable_mosaic.version = 14 : i64} {
  func.func @_assemble_body(%arg0: i32, %arg1: memref<128x16x128xf32, #tpu.memory_space<vmem>>, %arg2: memref<128x64xf32, #tpu.memory_space<vmem>>, %arg3: memref<128x64xf32, #tpu.memory_space<vmem>>, %arg4: memref<128x1024xf32, #tpu.memory_space<vmem>>, %arg5: memref<128x1024xf32, #tpu.memory_space<vmem>>) attributes {dimension_semantics = [#tpu.dimension_semantics<arbitrary>], iteration_bounds = array<i64: 256>, scalar_prefetch = 0 : i64, scratch_operands = 0 : i64, tpu.core_type = #tpu.core_type<tc>, window_params = [{transform_indices = @transform_0, window_bounds = array<i64: 128, 16, 128>}, {transform_indices = @transform_1, window_bounds = array<i64: 128, 64>}, {transform_indices = @transform_2, window_bounds = array<i64: 128, 64>}, {transform_indices = @transform_3, window_bounds = array<i64: 128, 1024>}, {transform_indices = @transform_4, window_bounds = array<i64: 128, 1024>}]} {
    %get3A = arith.constant 0 : index
    %get3A_0 = arith.constant 0 : index
    %get3A_1 = arith.constant 0 : index
    %get3A_2 = vector.load %arg1[%get3A, %get3A_0, %get3A_1] : memref<128x16x128xf32, #tpu.memory_space<vmem>>, vector<128x16x64xf32>
    %get3A_3 = arith.constant 0 : index
    %get3A_4 = arith.constant 0 : index
    %get3A_5 = arith.constant 64 : index
    %get3A_6 = vector.load %arg1[%get3A_3, %get3A_4, %get3A_5] : memref<128x16x128xf32, #tpu.memory_space<vmem>>, vector<128x16x64xf32>
    %transpose3A = tpu.transpose %get3A_2, [0, 2, 1] : vector<128x16x64xf32> -> vector<128x64x16xf32>
    %transpose3A_7 = tpu.transpose %get3A_6, [0, 2, 1] : vector<128x16x64xf32> -> vector<128x64x16xf32>
    %get3A_8 = arith.constant 0 : index
    %get3A_9 = arith.constant 0 : index
    %get3A_10 = vector.load %arg2[%get3A_8, %get3A_9] : memref<128x64xf32, #tpu.memory_space<vmem>>, vector<128x64xf32>
    %broadcast_in_dim3A = vector.shape_cast %get3A_10 : vector<128x64xf32> to vector<128x64x1xf32>
    %sub3A = vector.broadcast %broadcast_in_dim3A : vector<128x64x1xf32> to vector<128x64x16xf32>
    %sub3A_11 = arith.subf %transpose3A, %sub3A : vector<128x64x16xf32>
    %get3A_12 = arith.constant 0 : index
    %get3A_13 = arith.constant 0 : index
    %get3A_14 = vector.load %arg3[%get3A_12, %get3A_13] : memref<128x64xf32, #tpu.memory_space<vmem>>, vector<128x64xf32>
    %broadcast_in_dim3A_15 = vector.shape_cast %get3A_14 : vector<128x64xf32> to vector<128x64x1xf32>
    %sub3A_16 = vector.broadcast %broadcast_in_dim3A_15 : vector<128x64x1xf32> to vector<128x64x16xf32>
    %sub3A_17 = arith.subf %transpose3A_7, %sub3A_16 : vector<128x64x16xf32>
    %reshape3A = vector.shape_cast %sub3A_11 : vector<128x64x16xf32> to vector<128x1024xf32>
    %swap3A = arith.constant 0 : index
    %swap3A_18 = arith.constant 0 : index
    %swap3A_19 = vector.load %arg4[%swap3A, %swap3A_18] : memref<128x1024xf32, #tpu.memory_space<vmem>>, vector<128x1024xf32>
    tpu.vector_store %arg4[%swap3A, %swap3A_18], %reshape3A {strides = array<i32>} : memref<128x1024xf32, #tpu.memory_space<vmem>>, vector<128x1024xf32>,
    %reshape3A_20 = vector.shape_cast %sub3A_17 : vector<128x64x16xf32> to vector<128x1024xf32>
    %swap3A_21 = arith.constant 0 : index
    %swap3A_22 = arith.constant 0 : index
    %swap3A_23 = vector.load %arg5[%swap3A_21, %swap3A_22] : memref<128x1024xf32, #tpu.memory_space<vmem>>, vector<128x1024xf32>
    tpu.vector_store %arg5[%swap3A_21, %swap3A_22], %reshape3A_20 {strides = array<i32>} : memref<128x1024xf32, #tpu.memory_space<vmem>>, vector<128x1024xf32>,
    return
  }
  func.func @transform_0(%arg0: i32) -> (i32, i32, i32) {
    %c0_i32 = arith.constant 0 : i32
    %c0_i32_0 = arith.constant 0 : i32
    %c0_i32_1 = arith.constant 0 : i32
    return %arg0, %c0_i32, %c0_i32_0 : i32, i32, i32
  }
  func.func @transform_1(%arg0: i32) -> (i32, i32) {
    %c0_i32 = arith.constant 0 : i32
    %c0_i32_0 = arith.constant 0 : i32
    return %arg0, %c0_i32 : i32, i32
  }
  func.func @transform_2(%arg0: i32) -> (i32, i32) {
    %c0_i32 = arith.constant 0 : i32
    %c0_i32_0 = arith.constant 0 : i32
    return %arg0, %c0_i32 : i32, i32
  }
  func.func @transform_3(%arg0: i32) -> (i32, i32) {
    %c0_i32 = arith.constant 0 : i32
    %c0_i32_0 = arith.constant 0 : i32
    return %arg0, %c0_i32 : i32, i32
  }
  func.func @transform_4(%arg0: i32) -> (i32, i32) {
    %c0_i32 = arith.constant 0 : i32
    %c0_i32_0 = arith.constant 0 : i32
    return %arg0, %c0_i32 : i32, i32
  }
}

</mosaic_0001>

<sc_bundles>
// kernel: kernel.5.cloned.1.call-start
scs
__scs_entry_jumppad:
0x0: {  	(pc) =	sbr.rel $0x88, $3  }
0x1: {  	(tag) =	ssettag $0x0;
	lr =	simm.s32 $0x1  }
0x2: {  	[smem:$0x3F9D] =	sst lr;
	_ =	strace $0xD0000000  }
0x3: {  	_ = 	snop  }
0x4: {  	_ = 	snop  }
0x5: {  	_ = 	snop  }
0x6: {  	_ = 	snop  }
0x7: {  	_ = 	snop  }
__scs_overlays_trampoline_lowered:
0x8: {  	[smem:$0x3FAC] =	sst s0  }
0x9: {  	[smem:$0x3FAD] =	sst s1  }
0xa: {  	[smem:$0x3FAE] =	sst s2  }
0xb: {  	[smem:$0x3FAF] =	sst s3  }
0xc: {  	[smem:$0x3FB0] =	sst s4  }
0xd: {  	[smem:$0x3FB1] =	sst s5  }
0xe: {  	[smem:$0x3FB2] =	sst s6  }
0xf: {  	[smem:$0x3FB3] =	sst s7  }
0x10: {  	[smem:$0x3FB4] =	sst s8  }
0x11: {  	[smem:$0x3FB5] =	sst s9;
	s0 =	simm.s32 @!p0 $0x0  }
0x12: {  	s1 =	sld [smem:$0x3F9B];
	s0 =	simm.s32 @p0 $0x1  }
0x13: {  	[smem:$0x3FB6] =	sst s0;
	s0 =	simm.s32 @!p1 $0x0  }
0x14: {  	s2 =	sld [smem:$0x3F9A];
	s0 =	simm.s32 @p1 $0x1  }
0x15: {  	[smem:$0x3FB7] =	sst s0;
	s0 =	simm.s32 @!p2 $0x0  }
0x16: {  	s3 =	sld [smem:$0x3FDB];
	s0 =	simm.s32 @p2 $0x1  }
0x17: {  	s4 =	simm.s32 $0x1BF5;
	[smem:$0x3FB9] =	sst s0  }
0x18: {  	s0 =	sld [smem:$0x3F9C];
	_ =	swait.ge [sflag:s4], $0x0  }
0x19: {  	s7 =	sld [smem:$0x3F9D]  }
0x1a: {  	s8 =	sadd.s32 $0xFFFFE003, lr  }
0x1b: {  	s9 =	sadd.s32 $0xFFFFFEF7, lr;
	s5 =	simm.s32 $0xFFFFFFFF;
	p2 =	slt.u32 s8, $0xFFFFF086  }
0x1c: {  	p1 =	slt.u32 s9, $0xF7A;
	s5 =	simm.s32 @!p2 $0x0  }
0x1d: {  	s5 =	simm.s32 @p1 $0x1;
	p0 =	seq.s32 s7, s2  }
0x1e: {  	s7 =	smul.u32 @!p0 $0xF7A, s2;
	p2 =	seq.s32 @!p0 s5, $0x0  }
0x1f: {  	s9 =	smul.u32 $0xF7A, s1;
	s8 =	simm.s32 @!p0 $0x1BF5;
	p2 =	por !p2, p0  }
0x20: {  	[sflag:s8] =	ssyncset.s32 @!p0 $0xFFFFF086;
	s6 =	sadd.s32 @!p0 s3, s7;
	s7 =	simm.s32 @!p0 $0x108  }
0x21: {  	s3 =	sadd.s32 s3, s9;
	s6 =	sadd.s32 @!p0 $0x88, s6;
	s7 =	simm.s32 @p2 $0x1082  }
0x22: {  	[simem:s7], [sflag:s8] =	dma.local @!p0 [hbm:s6], $0xF7A  }
0x23: {  	s9 =	sor.u32 $0xD0000000, s2;
	s6 =	simm.s32 $0x108;
	_ =	swait.ge @!p0 [sflag:s8], $0x0  }
0x24: {  	s3 =	sadd.s32 $0x88, s3;
	s6 =	simm.s32 @!p1 $0x1082;
	[sflag:s4] =	ssyncset.s32 $0xFFFFF086  }
0x25: {  	[simem:s6], [sflag:s4] =	dma.local [hbm:s3], $0xF7A  }
0x26: {  	[smem:$0x3F9D] =	sst s1;
	(tag) =	ssettag s2;
	_ =	strace s9  }
0x27: {  	s1 =	sld [smem:$0x3FAD]  }
0x28: {  	s2 =	sld [smem:$0x3FAE]  }
0x29: {  	s4 =	sld [smem:$0x3FB0]  }
0x2a: {  	p0 =	seq.s32 s5, $0x0;
	s5 =	sld [smem:$0x3FB1]  }
0x2b: {  	s6 =	sld [smem:$0x3FB2]  }
0x2c: {  	s7 =	sld [smem:$0x3FB3]  }
0x2d: {  	s3 =	simm.s32 $0x108;
	s8 =	sld [smem:$0x3FB4]  }
0x2e: {  	s3 =	simm.s32 @!p0 $0x1082;
	s9 =	sld [smem:$0x3FB5]  }
0x2f: {  	lr =	sadd.s32 s0, s3;
	s0 =	sld [smem:$0x3FAC]  }
0x30: {  	s3 =	sld [smem:$0x3FAF]  }
0x31: {  	[smem:$0x3FB8] =	sst s10  }
0x32: {  	s10 =	sld [smem:$0x3FB6];
	_ =	sdelay $0x3  }
0x33: {  	p0 =	seq.s32 s10, $0x1;
	s10 =	sld [smem:$0x3FB8];
	_ =	sdelay $0x3  }
0x34: {  	[smem:$0x3FB8] =	sst s10  }
0x35: {  	s10 =	sld [smem:$0x3FB7];
	_ =	sdelay $0x3  }
0x36: {  	p1 =	seq.s32 s10, $0x1;
	s10 =	sld [smem:$0x3FB8];
	_ =	sdelay $0x3  }
0x37: {  	[smem:$0x3FB8] =	sst s10  }
0x38: {  	s10 =	sld [smem:$0x3FB9]  }
0x39: {  	_ = 	snop;
	(pc) =	sbr.ind lr, $3  }
0x3a: {  	_ = 	snop  }
0x3b: {  	_ = 	snop  }
0x3c: {  	p2 =	seq.s32 s10, $0x1;
	s10 =	sld [smem:$0x3FB8]  }
0x3d: {  	_ =	shalt  }
0x3e: {  	_ =	shalt  }
0x3f: {  	_ =	shalt  }
0x40: {  	_ =	shalt  }
0x41: {  	_ =	shalt  }
0x42: {  	_ =	shalt  }
0x43: {  	_ =	shalt  }
0x44: {  	_ =	shalt  }
0x45: {  	_ =	shalt  }
0x46: {  	_ =	shalt  }
0x47: {  	_ =	shalt  }
0x48: {  	_ =	shalt  }
0x49: {  	_ =	shalt  }
0x4a: {  	_ =	shalt  }
0x4b: {  	_ =	shalt  }
0x4c: {  	_ =	shalt  }
0x4d: {  	_ =	shalt  }
0x4e: {  	_ =	shalt  }
0x4f: {  	_ =	shalt  }
0x50: {  	_ =	shalt  }
0x51: {  	_ =	shalt  }
0x52: {  	_ =	shalt  }
0x53: {  	_ =	shalt  }
0x54: {  	_ =	shalt  }
0x55: {  	_ =	shalt  }
0x56: {  	_ =	shalt  }
0x57: {  	_ =	shalt  }
0x58: {  	_ =	shalt  }
0x59: {  	_ =	shalt  }
0x5a: {  	_ =	shalt  }
0x5b: {  	_ =	shalt  }
0x5c: {  	_ =	shalt  }
0x5d: {  	_ =	shalt  }
0x5e: {  	_ =	shalt  }
0x5f: {  	_ =	shalt  }
0x60: {  	_ =	shalt  }
0x61: {  	_ =	shalt  }
0x62: {  	_ =	shalt  }
0x63: {  	_ =	shalt  }
0x64: {  	_ =	shalt  }
0x65: {  	_ =	shalt  }
0x66: {  	_ =	shalt  }
0x67: {  	_ =	shalt  }
0x68: {  	_ =	shalt  }
0x69: {  	_ =	shalt  }
0x6a: {  	_ =	shalt  }
0x6b: {  	_ =	shalt  }
0x6c: {  	_ =	shalt  }
0x6d: {  	_ =	shalt  }
0x6e: {  	_ =	shalt  }
0x6f: {  	_ =	shalt  }
0x70: {  	_ =	shalt  }
0x71: {  	_ =	shalt  }
0x72: {  	_ =	shalt  }
0x73: {  	_ =	shalt  }
0x74: {  	_ =	shalt  }
0x75: {  	_ =	shalt  }
0x76: {  	_ =	shalt  }
0x77: {  	_ =	shalt  }
0x78: {  	_ =	shalt  }
0x79: {  	_ =	shalt  }
0x7a: {  	_ =	shalt  }
0x7b: {  	_ =	shalt  }
0x7c: {  	_ =	shalt  }
0x7d: {  	_ =	shalt  }
0x7e: {  	_ =	shalt  }
0x7f: {  	_ =	shalt  }
0x80: {  	_ =	shalt  }
0x81: {  	_ =	shalt  }
0x82: {  	_ =	shalt  }
0x83: {  	_ =	shalt  }
0x84: {  	_ =	shalt  }
0x85: {  	_ =	shalt  }
0x86: {  	_ =	shalt  }
0x87: {  	_ =	shalt  }
.Lfunc_end0:
.L_simem_size_0:
called_computation_lowered:
.L_overlay_start_0:
0x88: {  	s2 =	sld [smem:$0x3FD9]  }
0x89: {  	s3 =	sld [smem:$0x3FFE];
	_ =	sdelay $0x1  }
0x8a: {  	s1 =	srdreg.scid  }
0x8b: {  	s0 =	sand.u32 $0x1, s1  }
0x8c: {  	s16 =	sshll.u32 s0, $0xA;
	s2 =	sadd.s32 s3, s2  }
0x8d: {  	s2 =	sadd.s32 s2, s16  }
0x8e: {  	[smem:$0x3FC4] =	sst s2  }
0x8f: {  	_ = 	snop  }
0x90: {  	(tm) =	ssettm $0x1  }
0x91: {  	s17 =	sld [smem:$0x3FFB];
	_ =	sdelay $0x3  }
0x92: {  	_ =	strace s17  }
0x93: {  	s2 =	sld [smem:$0x3FFC];
	_ =	sdelay $0x3  }
0x94: {  	_ =	strace s2  }
0x95: {  	s2 =	sld [smem:$0x3FFD];
	_ =	sdelay $0x3  }
0x96: {  	_ =	strace s2  }
0x97: {  	_ =	strace $0x8FFFFFFF  }
0x98: {  	s18 =	sld [smem:$0x3FDB];
	_ =	sdelay $0x1  }
0x99: {  	s19 =	simm.s32 $_scs_section_size  }
0x9a: {  	s4 =	simm.s32 $_size__tile_overlayer_lowered;
	s5 =	simm.s32 $_tile_overlayer_lowered  }
0x9b: {  	s22 =	simm.s32 $0x1BFF;
	s21 =	sshll.u32 s5, $0x1;
	s2 =	sadd.s32 s19, s18  }
0x9c: {  	s6 =	simm.s32 $0x0;
	s20 =	sshll.u32 s4, $0x1;
	s4 =	sadd.s32 s21, s2  }
0x9d: {  	[timem:s6], [sflag:s22] =	dma.local [hbm:s4], s20  }
0x9e: {  	_ =	swait.ge [sflag:s22], s20  }
0x9f: {  	s3 =	ssub.s32 $0x0, s20;
	[sflag:s22] =	ssyncset.done $0x0  }
0xa0: {  	[sflag:s22] =	ssyncadd.s32 s3;
	_ =	sdelay $0x1  }
0xa1: {  	s23 =	simm.s32 $0x1B8B  }
0xa2: {  	_ =	swait.ge [sflag:s23], $0x1  }
0xa3: {  	[sflag:s23] =	ssyncset.done $0x0  }
0xa4: {  	s25 =	simm.s32 $0x1B8E;
	s24 =	sld [smem:$0x3FFE];
	[sflag:s23] =	ssyncadd.s32 $0xFFFFFFFF  }
0xa5: {  	s26 =	simm.s32 $execute0_lowered;
	[smem:$0x3FD2] =	sst s25  }
0xa6: {  	s4 =	sshll.u32 s26, $0x1;
	_ =	strace $0x80000046;
	[dreg:$0x1] =	wrdreg $0xFFFFFFFF  }
0xa7: {  	s28 =	simm.s32 $_size_execute0_lowered;
	s2 =	sadd.s32 s2, s4;
	[dreg:$0x0] =	wrdreg $0x0  }
0xa8: {  	s4 =	sshll.u32 s28, $0x1;
	[dreg:$0x2] =	wrdreg s2  }
0xa9: {  	[dreg:$0x3] =	wrdreg s4  }
0xaa: {  	[dreg:$0x4] =	wrdreg $0xC0  }
0xab: {  	_ =	task [dreg:s6], $0x5FFFF  }
0xac: {  	[dreg:$0x1] =	wrdreg $0xFFFFFFFF  }
0xad: {  	[dreg:$0x0] =	wrdreg $0x60  }
0xae: {  	[dreg:$0x2] =	wrdreg s24  }
0xaf: {  	[dreg:$0x3] =	wrdreg $0x9  }
0xb0: {  	_ =	task.clear_ibuf [dreg:s6], $0x4FFFF;
	_ =	strace $0x90000046  }
0xb1: {  	s29 =	simm.s32 $0x9;
	_ =	strace $0x80000048  }
0xb2: {  	_ =	swait.ge [sflag:s29], $0x1  }
0xb3: {  	[sflag:s29] =	ssyncadd.s32 $0xFFFFFFFF  }
0xb4: {  	_ =	strace $0x90000048  }
0xb5: {  	_ =	sfence  }
0xb6: {  	s30 =	sld [smem:$0x0];
	_ =	sdelay $0x2  }
0xb7: {  	s31 =	sshll.u32 s1, $0xD;
	s1 =	sshrl.u32 s1, $0x2  }
0xb8: {  	s3 =	sand.u32 $0x4000, s31;
	s1 =	sadd.s32 s1, s30  }
0xb9: {  	s0 =	sor.u32 s3, s0;
	s1 =	sshll.u32 s1, $0x11  }
0xba: {  	s0 =	sor.u32 s1, s0  }
0xbb: {  	s0 =	sadd.s32 $0x8F2B, s0  }
0xbc: {  	[sflag:s0] =	ssyncadd.remote.s32 $0x1  }
0xbd: {  	_ =	sfence.sel $0xFFFF  }
0xbe: {  	[dreg:$0x0] =	wrdreg $0xFFFFFFFF;
	(pc) =	sbr.abs _section_cstart, $3  }
0xbf: {  	[dreg:$0x1] =	wrdreg $0xFFFFFFFF  }
0xc0: {  	_ =	task.clear_ibuf [dreg:s6], $0x2FFFF;
	_ =	strace $0x9FFFFFFF  }
0xc1: {  	(tm) =	ssettm $0x7FFFFFFF  }
tec
execute0_lowered:
.L_overlay_start_1:
0x0: {  	(tag) =	ssettag $0x1  }
0x1: {  	s4 =	rddreg [dreg:$0x0]  }
0x2: {  	s0 =	rddreg [dreg:$0x1];
	s2 =	simm.s32 $0x0;
	s3 =	srdreg.scid  }
0x3: {  	s1 =	stileid.u32;
	s10 =	simm.s32 $0x0;
	[smem:$0x7FF] =	sst s2  }
0x4: {  	s5 =	sand.u32 $0x1, s3;
	s6 =	sshll.u32 s1, $0xF;
	s3 =	sadd.s32 $0x2800, s4  }
0x5: {  	s8 =	sshll.u32 s1, $0x13;
	_ =	strace $0x80000047;
	s7 =	sshll.u32 s5, $0xE  }
0x6: {  	s31 =	ssub.s32 $0x2, s5;
	s8 =	sadd.s32 s8, s4;
	s5 =	sshll.u32 s5, $0x12  }
0x7: {  	s6 =	sor.u32 s7, s6;
	s9 =	sshrl.u32 s31, $0x1;
	s5 =	sadd.s32 s5, s8  }
0x8: {  	s8 =	simm.s32 $0x80;
	s6 =	sshrl.u32 s6, $0x3;
	s7 =	ssub.s32 s31, s9  }
0x9: {  	s5 =	sadd.s32 $0x112800, s5;
	s9 =	simm.s32 $0x1;
	s6 =	sadd.s32 s6, s4  }
0xa: {  	s4 =	smax.u32 s7, $0x1;
	s7 =	simm.s32 $0x2;
	s6 =	sadd.s32 $0x102800, s6  }
.LBB2_1:
0xb: {  	s11 =	sadd.s32 $0x0, s6  }
0xc: {  	[tilespmem:s2], [sflag:$0x2] =	stream.linear.gather [hbm4b:s11+s2], $0x80, $0x38;
	[tilespmem:$0x4080] =	vst v63  }
0xd: {  	_ =	swait.ge [sflag:s7], $0x80  }
0xe: {  	[sflag:s7] =	ssyncset.done $0x0  }
0xf: {  	[sflag:s7] =	ssyncadd.s32 $0xFFFFFF80  }
0x10: {  	[tilespmem:s8], [sflag:$0x1] =	stream.indirect.gather [hbm4b:s3+s8], $0x80, s2, s8, $0xb8;
	[tilespmem:$0x4080] =	vst v63  }
0x11: {  	_ =	swait.ge [sflag:s9], $0x4000  }
0x12: {  	[sflag:s9] =	ssyncset.done $0x0  }
0x13: {  	[sflag:s9] =	ssyncadd.s32 $0xFFFFC000  }
0x14: {  	[hbm4b:s5+s2] =	stream.linear.scatter [tilespmem:s8], [sflag:$0x2], $0x4000, $0x38;
	[tilespmem:$0x4080] =	vst v63  }
0x15: {  	s12 =	simm.s32 $0x10;
	_ =	swait.ge [sflag:s7], $0x4000  }
0x16: {  	s13 =	simm.s32 $0x20;
	s11 =	sadd.s32 $0x800, s5;
	[sflag:s7] =	ssyncset.done $0x0  }
.LBB2_2:
0x17: {  	s14 =	sadd.s32 s12, s6  }
0x18: {  	[sflag:s7] =	ssyncadd.s32 $0xFFFFC000;
	s12 =	smov.u32 s13;
	s15 =	sadd.s32 $0x10, s13  }
0x19: {  	[tilespmem:s2], [sflag:$0x2] =	stream.linear.gather [hbm4b:s14+s2], $0x80, $0x38;
	[tilespmem:$0x4080] =	vst v63  }
0x1a: {  	p0 =	sne.s32 s13, $0x7F0;
	_ =	swait.ge [sflag:s7], $0x80  }
0x1b: {  	[sflag:s7] =	ssyncset.done $0x0  }
0x1c: {  	[sflag:s7] =	ssyncadd.s32 $0xFFFFFF80  }
0x1d: {  	[tilespmem:s8], [sflag:$0x1] =	stream.indirect.gather [hbm4b:s3+s8], $0x80, s2, s8, $0xb8;
	[tilespmem:$0x4080] =	vst v63  }
0x1e: {  	_ =	swait.ge [sflag:s9], $0x4000  }
.Ltmp0:
0x1f: {  	[sflag:s9] =	ssyncset.done $0x0;
	(pc) =	sbr.rel @p0 .LBB2_2-.Ltmp0, $4  }
0x20: {  	[sflag:s9] =	ssyncadd.s32 $0xFFFFC000  }
0x21: {  	[hbm4b:s11+s2] =	stream.linear.scatter [tilespmem:s8], [sflag:$0x2], $0x4000, $0x38;
	[tilespmem:$0x4080] =	vst v63  }
0x22: {  	_ =	swait.ge [sflag:s7], $0x4000  }
0x23: {  	s13 =	smov.u32 s15;
	s11 =	sadd.s32 $0x800, s11;
	[sflag:s7] =	ssyncset.done $0x0  }
0x24: {  	s12 =	sadd.s32 s12, s6;
	[sflag:s7] =	ssyncadd.s32 $0xFFFFC000  }
0x25: {  	[tilespmem:s2], [sflag:$0x2] =	stream.linear.gather [hbm4b:s12+s2], $0x80, $0x38;
	[tilespmem:$0x4080] =	vst v63  }
0x26: {  	_ =	swait.ge [sflag:s7], $0x80  }
0x27: {  	[sflag:s7] =	ssyncset.done $0x0  }
0x28: {  	[sflag:s7] =	ssyncadd.s32 $0xFFFFFF80  }
0x29: {  	[tilespmem:s8], [sflag:$0x1] =	stream.indirect.gather [hbm4b:s3+s8], $0x80, s2, s8, $0xb8;
	[tilespmem:$0x4080] =	vst v63  }
0x2a: {  	s10 =	sadd.s32 $0x1, s10;
	_ =	swait.ge [sflag:s9], $0x4000  }
0x2b: {  	p0 =	sne.s32 s10, s4;
	[sflag:s9] =	ssyncset.done $0x0  }
.Ltmp1:
0x2c: {  	[sflag:s9] =	ssyncadd.s32 $0xFFFFC000;
	(pc) =	sbr.rel @p0 .LBB2_1-.Ltmp1, $4  }
0x2d: {  	[hbm4b:s11+s2] =	stream.linear.scatter [tilespmem:s8], [sflag:$0x2], $0x4000, $0x38;
	[tilespmem:$0x4080] =	vst v63  }
0x2e: {  	_ =	swait.ge [sflag:s7], $0x4000  }
0x2f: {  	[sflag:s7] =	ssyncset.done $0x0  }
0x30: {  	[sflag:s7] =	ssyncadd.s32 $0xFFFFC000  }
0x31: {  	_ =	sfence.sel $0x180000  }
0x32: {  	[bflag:$0x0] =	sbarrier.arrive $0xFFFF  }
0x33: {  	p0 =	sne.s32 s1, $0x0;
	_ =	strace $0x90000047  }
0x34: {  	s0 =	sadd.s32 @!p0 $0x100000, s0;
	[bflag:$0x2] =	sbarrier.arrive $0xFFFF  }
0x35: {  	[sflag:s0] =	ssyncadd.tile.s32 @!p0 $0x1;
	_ =	shalt  }
.Lfunc_end2:
_tile_overlayer_lowered:
.L_overlay_start_2:
0x36: {  	(tag) =	ssettag $0x2  }
0x37: {  	s0 =	rddreg [dreg:$0x0];
	s2 =	stileid.u32  }
0x38: {  	s1 =	rddreg [dreg:$0x1];
	p0 =	sne.s32 s2, $0x0  }
0x39: {  	s3 =	rddreg [dreg:$0x2];
	[bflag:$0x3] =	sbarrier.arrive $0xFFFF;
	s2 =	simm.s32 @!p0 $0x1C02  }
0x3a: {  	[timem:s3], [sflag:s2] =	dma.local @!p0 [hbm:s0], s1  }
0x3b: {  	s0 =	simm.s32 @!p0 $0x2  }
0x3c: {  	_ =	swait.ge @!p0 [sflag:s0], s1  }
0x3d: {  	s1 =	ssub.s32 @!p0 $0x0, s1;
	[sflag:s0] =	ssyncset.done @!p0 $0x0  }
0x3e: {  	[sflag:s0] =	ssyncadd.s32 @!p0 s1  }
0x3f: {  	[bflag:$0x3] =	sbarrier.arrive $0xFFFF  }
0x40: {  	_ =	shalt  }

</sc_bundles>
